<compile_context>
chip_gen: v7x
topology: tpu7x:2x2x1
jax: 0.10.2.dev20260603
libtpu: 0.0.44.dev20260713+nightly
codegen_flags: <defaults>
</compile_context>

<pallas_src>
import functools

import jax
import jax.numpy as jnp
from jax import lax
from jax.experimental import pallas as pl
from jax.experimental.pallas import tpu as pltpu
from jax.experimental.pallas import tpu_sc as plsc

_N = 16384
_D = 64
_K = 8192
_DH = 32
_EPS = 1e-12

_BN = 1024

_NC = 2
_NS = 16
_NW = _NC * _NS


def _tc_body(z_ref, emb_ref, wt_ref, b_ref, idx_ref, embN_ref, embAT_s):
    @pl.when(pl.program_id(0) == 0)
    def _prep():
        emb = emb_ref[...]
        e = jnp.dot(emb, wt_ref[...],
                    preferred_element_type=jnp.float32) + b_ref[...]
        n2 = jnp.sum(e * e, axis=1, keepdims=True)
        en = e * (1.0 / jnp.maximum(jnp.sqrt(n2), _EPS))
        e2 = jnp.sum(en * en, axis=1, keepdims=True)
        embA = jnp.concatenate(
            [en, -0.5 * e2, jnp.zeros((e.shape[0], 7), jnp.float32)],
            axis=1)
        embAT_s[...] = embA.T.astype(jnp.bfloat16)
        m2 = jnp.sum(emb * emb, axis=1, keepdims=True)
        embN = emb * (1.0 / jnp.maximum(jnp.sqrt(m2), _EPS))
        embN_ref[...] = jnp.concatenate(
            [embN, jnp.zeros((emb.shape[0], 128 - _D), jnp.float32)], axis=1)

    zb = z_ref[...]
    e = jnp.dot(zb, wt_ref[...],
                preferred_element_type=jnp.float32) + b_ref[...]
    n2 = jnp.sum(e * e, axis=1, keepdims=True)
    zn = e * (1.0 / jnp.maximum(jnp.sqrt(n2), _EPS))
    za = jnp.concatenate(
        [zn, jnp.ones((zn.shape[0], 1), jnp.float32),
         jnp.zeros((zn.shape[0], 7), jnp.float32)], axis=1)
    s = jnp.dot(za.astype(jnp.bfloat16), embAT_s[...],
                preferred_element_type=jnp.float32)
    bn = s.shape[0]
    nt = _K // 128
    rv = s[:, 0:128]
    rk = jnp.zeros((bn, 128), jnp.int32)
    for t in range(1, nt):
        st = s[:, t * 128:(t + 1) * 128]
        gt = st > rv
        rv = jnp.maximum(rv, st)
        rk = jnp.where(gt, t, rk)
    col = rk * 128 + lax.broadcasted_iota(jnp.int32, (bn, 128), 1)
    m = jnp.max(rv, axis=1, keepdims=True)
    cand = jnp.where(rv == m, col, _K)
    idx_ref[0, :, :] = jnp.min(cand, axis=1).reshape(8, _BN // 8)


def _tc_call(z, emb, wt, b2):
    nb = _N // _BN
    idx, embN = pl.pallas_call(
        _tc_body,
        grid=(nb,),
        in_specs=[
            pl.BlockSpec((_BN, _D), lambda i: (i, 0)),
            pl.BlockSpec((_K, _D), lambda i: (0, 0)),
            pl.BlockSpec((_D, _DH), lambda i: (0, 0)),
            pl.BlockSpec((1, _DH), lambda i: (0, 0)),
        ],
        out_specs=(
            pl.BlockSpec((1, 8, _BN // 8), lambda i: (i, 0, 0)),
            pl.BlockSpec((_K, 128), lambda i: (0, 0)),
        ),
        out_shape=(
            jax.ShapeDtypeStruct((nb, 8, _BN // 8), jnp.int32),
            jax.ShapeDtypeStruct((_K, 128), jnp.float32),
        ),
        scratch_shapes=[pltpu.VMEM((_DH + 8, _K), jnp.bfloat16)],
    )(z, emb, wt, b2)
    return idx, embN


def _gather_call(table, idx):
    nrow = idx.shape[0]
    b_per_w = nrow // _NW
    nchunk = b_per_w // 128
    mesh = plsc.VectorSubcoreMesh(core_axis_name="c", subcore_axis_name="s")

    @functools.partial(
        pl.kernel,
        mesh=mesh,
        out_type=jax.ShapeDtypeStruct((nrow, 128), jnp.float32),
        scratch_types=[
            pltpu.VMEM((nchunk, 128), jnp.int32),
            pltpu.VMEM((b_per_w, 128), jnp.float32),
            pltpu.SemaphoreType.DMA,
        ],
    )
    def k(table_hbm, idx_hbm, out_hbm, idx_v, rows_v, sem):
        wid = lax.axis_index("s") * _NC + lax.axis_index("c")
        base = wid * b_per_w
        for j in range(nchunk):
            pltpu.sync_copy(idx_hbm.at[pl.ds(base + j * 128, 128)],
                            idx_v.at[j])
        cps = [pltpu.async_copy(table_hbm.at[idx_v.at[j]],
                                rows_v.at[pl.ds(j * 128, 128)], sem)
               for j in range(nchunk)]
        for cp in cps:
            cp.wait()
        pltpu.sync_copy(rows_v, out_hbm.at[pl.ds(base, b_per_w)])

    return k(table, idx)


def kernel(z, emb, W, b):
    assert z.shape == (_N, _D) and emb.shape == (_K, _D)
    wt = W.T
    b2 = b.reshape(1, _DH)
    idx2, embN = _tc_call(z, emb, wt, b2)
    out = _gather_call(embN, idx2.reshape(_N))
    return out[:, :_D]

# --- scband reference (transcript-rebuilt; emitter-appended) ---
"""Pipeline reference for scband-quantizer-norm-43026982372000 (READ-ONLY COPY).

The authoritative reference and input builder live on the scoring server;
editing this copy changes nothing except your own understanding.
"""

import jax, jax.numpy as jnp
import numpy as np

N = 16384
D = 64
K = 8192
DH = D // 2

def _normalize(x, eps=1e-12):
    n = jnp.sqrt(jnp.sum(x * x, axis=-1, keepdims=True))
    return x / jnp.maximum(n, eps)

def setup_inputs(seed: int = 0) -> dict:
    key = jax.random.key(seed)
    k1, k2, k3, k4 = jax.random.split(key, 4)
    z = jax.random.normal(k1, (N, D), dtype=jnp.float32)
    emb = jax.random.normal(k2, (K, D), dtype=jnp.float32)
    # nn.Linear(D, D//2): weight [DH, D], bias [DH]
    bound = 1.0 / np.sqrt(D)
    W = jax.random.uniform(k3, (DH, D), dtype=jnp.float32, minval=-bound, maxval=bound)
    b = jax.random.uniform(k4, (DH,), dtype=jnp.float32, minval=-bound, maxval=bound)
    return {"z": z, "emb": emb, "W": W, "b": b}

def reference(z, emb, W, b):
    z_ = z @ W.T + b
    emb_ = emb @ W.T + b
    z_norm = _normalize(z_)
    emb_norm = _normalize(emb_)
    distances = (jnp.sum(z_norm ** 2, axis=-1, keepdims=True)
                 + jnp.sum(emb_norm ** 2, axis=-1)
                 - 2.0 * z_norm @ emb_norm.T)
    closest = jnp.argmin(distances, axis=-1)
    one_hot = jax.nn.one_hot(closest, K, dtype=jnp.float32)
    quantized = one_hot @ emb
    quantized = _normalize(quantized)
    return quantized

if __name__ == "__main__":
    import jax
    _d = setup_inputs()
    print(jax.jit(kernel)(*tuple(_d.values())))

</pallas_src>

<mosaic_0001>
#map = affine_map<(d0, d1) -> (0, 0)>
#map1 = affine_map<(d0, d1) -> (0)>
module attributes {stable_mosaic.version = 14 : i64} {
  func.func @k(%arg0: i32, %arg1: i32, %arg2: memref<8192x128xf32, #tpu.memory_space<hbm>>, %arg3: memref<16384xi32, #tpu.memory_space<hbm>>, %arg4: memref<16384x128xf32, #tpu.memory_space<hbm>>, %arg5: memref<4x128xi32, #tpu.memory_space<vmem>>, %arg6: memref<512x128xf32, #tpu.memory_space<vmem>>, %arg7: memref<!tpu.dma_semaphore, #tpu.memory_space<semaphore_mem>>) attributes {dimension_semantics = [#tpu.dimension_semantics<core_parallel>, #tpu.dimension_semantics<subcore_parallel>], iteration_bounds = array<i64: 2, 16>, scalar_prefetch = 0 : i64, scratch_operands = 3 : i64, tpu.core_type = #tpu.core_type<sc_vector_subcore>, window_params = [{transform_indices = #map}, {transform_indices = #map1}, {transform_indices = #map}]} {
    %mul3A = arith.constant 2 : i32
    %mul3A_0 = arith.muli %arg1, %mul3A : i32
    %add3A = arith.addi %mul3A_0, %arg0 : i32
    %mul3A_1 = arith.constant 512 : i32
    %mul3A_2 = arith.muli %add3A, %mul3A_1 : i32
    %add3A_3 = arith.constant 0 : i32
    %add3A_4 = arith.addi %mul3A_2, %add3A_3 : i32
    %run_scoped3A = arith.constant 0 : i32
    "tpu.region"() ({
      %run_scoped3A_92 = tpu.sem_alloc : memref<!tpu.dma_semaphore, #tpu.memory_space<semaphore_mem>>
      %dma_start3A_93 = arith.constant 0 : i32
      %dma_start3A_94 = tpu.memref_slice %arg5[%run_scoped3A, %dma_start3A_93] : memref<4x128xi32, #tpu.memory_space<vmem>> -> memref<1x128xi32, #tpu.memory_space<vmem>>
      %dma_start3A_95 = tpu.memref_squeeze %dma_start3A_94 : memref<1x128xi32, #tpu.memory_space<vmem>> -> memref<128xi32, #tpu.memory_space<vmem>>
      %dma_start3A_96 = tpu.memref_slice %arg3[%add3A_4] : memref<16384xi32, #tpu.memory_space<hbm>> -> memref<128xi32, #tpu.memory_space<hbm>>
      %dma_start3A_97 = arith.constant 0 : i32
      %dma_start3A_98 = tpu.memref_slice %arg5[%run_scoped3A, %dma_start3A_97] : memref<4x128xi32, #tpu.memory_space<vmem>> -> memref<1x128xi32, #tpu.memory_space<vmem>>
      %dma_start3A_99 = tpu.memref_squeeze %dma_start3A_98 : memref<1x128xi32, #tpu.memory_space<vmem>> -> memref<128xi32, #tpu.memory_space<vmem>>
      %dma_start3A_100 = tpu.memref_slice %arg3[%add3A_4] : memref<16384xi32, #tpu.memory_space<hbm>> -> memref<128xi32, #tpu.memory_space<hbm>>
      tpu.enqueue_dma source(%dma_start3A_100 : memref<128xi32, #tpu.memory_space<hbm>>) target(%dma_start3A_99 : memref<128xi32, #tpu.memory_space<vmem>>) target_semaphore(%run_scoped3A_92 : memref<!tpu.dma_semaphore, #tpu.memory_space<semaphore_mem>>)
      %dma_wait3A_101 = arith.constant 0 : i32
      %dma_wait3A_102 = tpu.memref_slice %arg5[%run_scoped3A, %dma_wait3A_101] : memref<4x128xi32, #tpu.memory_space<vmem>> -> memref<1x128xi32, #tpu.memory_space<vmem>>
      %dma_wait3A_103 = tpu.memref_squeeze %dma_wait3A_102 : memref<1x128xi32, #tpu.memory_space<vmem>> -> memref<128xi32, #tpu.memory_space<vmem>>
      %dma_wait3A_104 = tpu.memref_slice %arg3[%add3A_4] : memref<16384xi32, #tpu.memory_space<hbm>> -> memref<128xi32, #tpu.memory_space<hbm>>
      %dma_wait3A_105 = arith.constant 0 : i32
      %dma_wait3A_106 = tpu.memref_slice %arg5[%run_scoped3A, %dma_wait3A_105] : memref<4x128xi32, #tpu.memory_space<vmem>> -> memref<1x128xi32, #tpu.memory_space<vmem>>
      %dma_wait3A_107 = tpu.memref_squeeze %dma_wait3A_106 : memref<1x128xi32, #tpu.memory_space<vmem>> -> memref<128xi32, #tpu.memory_space<vmem>>
      %dma_wait3A_108 = tpu.memref_slice %arg3[%add3A_4] : memref<16384xi32, #tpu.memory_space<hbm>> -> memref<128xi32, #tpu.memory_space<hbm>>
      tpu.wait_dma2 semaphore(%run_scoped3A_92 : memref<!tpu.dma_semaphore, #tpu.memory_space<semaphore_mem>>) src(%dma_wait3A_108 : memref<128xi32, #tpu.memory_space<hbm>>) dst(%dma_wait3A_107 : memref<128xi32, #tpu.memory_space<vmem>>)
      tpu.yield
    }) : () -> ()
    %add3A_5 = arith.constant 128 : i32
    %add3A_6 = arith.addi %mul3A_2, %add3A_5 : i32
    %run_scoped3A_7 = arith.constant 1 : i32
    "tpu.region"() ({
      %run_scoped3A_92 = tpu.sem_alloc : memref<!tpu.dma_semaphore, #tpu.memory_space<semaphore_mem>>
      %dma_start3A_93 = arith.constant 0 : i32
      %dma_start3A_94 = tpu.memref_slice %arg5[%run_scoped3A_7, %dma_start3A_93] : memref<4x128xi32, #tpu.memory_space<vmem>> -> memref<1x128xi32, #tpu.memory_space<vmem>>
      %dma_start3A_95 = tpu.memref_squeeze %dma_start3A_94 : memref<1x128xi32, #tpu.memory_space<vmem>> -> memref<128xi32, #tpu.memory_space<vmem>>
      %dma_start3A_96 = tpu.memref_slice %arg3[%add3A_6] : memref<16384xi32, #tpu.memory_space<hbm>> -> memref<128xi32, #tpu.memory_space<hbm>>
      %dma_start3A_97 = arith.constant 0 : i32
      %dma_start3A_98 = tpu.memref_slice %arg5[%run_scoped3A_7, %dma_start3A_97] : memref<4x128xi32, #tpu.memory_space<vmem>> -> memref<1x128xi32, #tpu.memory_space<vmem>>
      %dma_start3A_99 = tpu.memref_squeeze %dma_start3A_98 : memref<1x128xi32, #tpu.memory_space<vmem>> -> memref<128xi32, #tpu.memory_space<vmem>>
      %dma_start3A_100 = tpu.memref_slice %arg3[%add3A_6] : memref<16384xi32, #tpu.memory_space<hbm>> -> memref<128xi32, #tpu.memory_space<hbm>>
      tpu.enqueue_dma source(%dma_start3A_100 : memref<128xi32, #tpu.memory_space<hbm>>) target(%dma_start3A_99 : memref<128xi32, #tpu.memory_space<vmem>>) target_semaphore(%run_scoped3A_92 : memref<!tpu.dma_semaphore, #tpu.memory_space<semaphore_mem>>)
      %dma_wait3A_101 = arith.constant 0 : i32
      %dma_wait3A_102 = tpu.memref_slice %arg5[%run_scoped3A_7, %dma_wait3A_101] : memref<4x128xi32, #tpu.memory_space<vmem>> -> memref<1x128xi32, #tpu.memory_space<vmem>>
      %dma_wait3A_103 = tpu.memref_squeeze %dma_wait3A_102 : memref<1x128xi32, #tpu.memory_space<vmem>> -> memref<128xi32, #tpu.memory_space<vmem>>
      %dma_wait3A_104 = tpu.memref_slice %arg3[%add3A_6] : memref<16384xi32, #tpu.memory_space<hbm>> -> memref<128xi32, #tpu.memory_space<hbm>>
      %dma_wait3A_105 = arith.constant 0 : i32
      %dma_wait3A_106 = tpu.memref_slice %arg5[%run_scoped3A_7, %dma_wait3A_105] : memref<4x128xi32, #tpu.memory_space<vmem>> -> memref<1x128xi32, #tpu.memory_space<vmem>>
      %dma_wait3A_107 = tpu.memref_squeeze %dma_wait3A_106 : memref<1x128xi32, #tpu.memory_space<vmem>> -> memref<128xi32, #tpu.memory_space<vmem>>
      %dma_wait3A_108 = tpu.memref_slice %arg3[%add3A_6] : memref<16384xi32, #tpu.memory_space<hbm>> -> memref<128xi32, #tpu.memory_space<hbm>>
      tpu.wait_dma2 semaphore(%run_scoped3A_92 : memref<!tpu.dma_semaphore, #tpu.memory_space<semaphore_mem>>) src(%dma_wait3A_108 : memref<128xi32, #tpu.memory_space<hbm>>) dst(%dma_wait3A_107 : memref<128xi32, #tpu.memory_space<vmem>>)
      tpu.yield
    }) : () -> ()
    %add3A_8 = arith.constant 256 : i32
    %add3A_9 = arith.addi %mul3A_2, %add3A_8 : i32
    %run_scoped3A_10 = arith.constant 2 : i32
    "tpu.region"() ({
      %run_scoped3A_92 = tpu.sem_alloc : memref<!tpu.dma_semaphore, #tpu.memory_space<semaphore_mem>>
      %dma_start3A_93 = arith.constant 0 : i32
      %dma_start3A_94 = tpu.memref_slice %arg5[%run_scoped3A_10, %dma_start3A_93] : memref<4x128xi32, #tpu.memory_space<vmem>> -> memref<1x128xi32, #tpu.memory_space<vmem>>
      %dma_start3A_95 = tpu.memref_squeeze %dma_start3A_94 : memref<1x128xi32, #tpu.memory_space<vmem>> -> memref<128xi32, #tpu.memory_space<vmem>>
      %dma_start3A_96 = tpu.memref_slice %arg3[%add3A_9] : memref<16384xi32, #tpu.memory_space<hbm>> -> memref<128xi32, #tpu.memory_space<hbm>>
      %dma_start3A_97 = arith.constant 0 : i32
      %dma_start3A_98 = tpu.memref_slice %arg5[%run_scoped3A_10, %dma_start3A_97] : memref<4x128xi32, #tpu.memory_space<vmem>> -> memref<1x128xi32, #tpu.memory_space<vmem>>
      %dma_start3A_99 = tpu.memref_squeeze %dma_start3A_98 : memref<1x128xi32, #tpu.memory_space<vmem>> -> memref<128xi32, #tpu.memory_space<vmem>>
      %dma_start3A_100 = tpu.memref_slice %arg3[%add3A_9] : memref<16384xi32, #tpu.memory_space<hbm>> -> memref<128xi32, #tpu.memory_space<hbm>>
      tpu.enqueue_dma source(%dma_start3A_100 : memref<128xi32, #tpu.memory_space<hbm>>) target(%dma_start3A_99 : memref<128xi32, #tpu.memory_space<vmem>>) target_semaphore(%run_scoped3A_92 : memref<!tpu.dma_semaphore, #tpu.memory_space<semaphore_mem>>)
      %dma_wait3A_101 = arith.constant 0 : i32
      %dma_wait3A_102 = tpu.memref_slice %arg5[%run_scoped3A_10, %dma_wait3A_101] : memref<4x128xi32, #tpu.memory_space<vmem>> -> memref<1x128xi32, #tpu.memory_space<vmem>>
      %dma_wait3A_103 = tpu.memref_squeeze %dma_wait3A_102 : memref<1x128xi32, #tpu.memory_space<vmem>> -> memref<128xi32, #tpu.memory_space<vmem>>
      %dma_wait3A_104 = tpu.memref_slice %arg3[%add3A_9] : memref<16384xi32, #tpu.memory_space<hbm>> -> memref<128xi32, #tpu.memory_space<hbm>>
      %dma_wait3A_105 = arith.constant 0 : i32
      %dma_wait3A_106 = tpu.memref_slice %arg5[%run_scoped3A_10, %dma_wait3A_105] : memref<4x128xi32, #tpu.memory_space<vmem>> -> memref<1x128xi32, #tpu.memory_space<vmem>>
      %dma_wait3A_107 = tpu.memref_squeeze %dma_wait3A_106 : memref<1x128xi32, #tpu.memory_space<vmem>> -> memref<128xi32, #tpu.memory_space<vmem>>
      %dma_wait3A_108 = tpu.memref_slice %arg3[%add3A_9] : memref<16384xi32, #tpu.memory_space<hbm>> -> memref<128xi32, #tpu.memory_space<hbm>>
      tpu.wait_dma2 semaphore(%run_scoped3A_92 : memref<!tpu.dma_semaphore, #tpu.memory_space<semaphore_mem>>) src(%dma_wait3A_108 : memref<128xi32, #tpu.memory_space<hbm>>) dst(%dma_wait3A_107 : memref<128xi32, #tpu.memory_space<vmem>>)
      tpu.yield
    }) : () -> ()
    %add3A_11 = arith.constant 384 : i32
    %add3A_12 = arith.addi %mul3A_2, %add3A_11 : i32
    %run_scoped3A_13 = arith.constant 3 : i32
    "tpu.region"() ({
      %run_scoped3A_92 = tpu.sem_alloc : memref<!tpu.dma_semaphore, #tpu.memory_space<semaphore_mem>>
      %dma_start3A_93 = arith.constant 0 : i32
      %dma_start3A_94 = tpu.memref_slice %arg5[%run_scoped3A_13, %dma_start3A_93] : memref<4x128xi32, #tpu.memory_space<vmem>> -> memref<1x128xi32, #tpu.memory_space<vmem>>
      %dma_start3A_95 = tpu.memref_squeeze %dma_start3A_94 : memref<1x128xi32, #tpu.memory_space<vmem>> -> memref<128xi32, #tpu.memory_space<vmem>>
      %dma_start3A_96 = tpu.memref_slice %arg3[%add3A_12] : memref<16384xi32, #tpu.memory_space<hbm>> -> memref<128xi32, #tpu.memory_space<hbm>>
      %dma_start3A_97 = arith.constant 0 : i32
      %dma_start3A_98 = tpu.memref_slice %arg5[%run_scoped3A_13, %dma_start3A_97] : memref<4x128xi32, #tpu.memory_space<vmem>> -> memref<1x128xi32, #tpu.memory_space<vmem>>
      %dma_start3A_99 = tpu.memref_squeeze %dma_start3A_98 : memref<1x128xi32, #tpu.memory_space<vmem>> -> memref<128xi32, #tpu.memory_space<vmem>>
      %dma_start3A_100 = tpu.memref_slice %arg3[%add3A_12] : memref<16384xi32, #tpu.memory_space<hbm>> -> memref<128xi32, #tpu.memory_space<hbm>>
      tpu.enqueue_dma source(%dma_start3A_100 : memref<128xi32, #tpu.memory_space<hbm>>) target(%dma_start3A_99 : memref<128xi32, #tpu.memory_space<vmem>>) target_semaphore(%run_scoped3A_92 : memref<!tpu.dma_semaphore, #tpu.memory_space<semaphore_mem>>)
      %dma_wait3A_101 = arith.constant 0 : i32
      %dma_wait3A_102 = tpu.memref_slice %arg5[%run_scoped3A_13, %dma_wait3A_101] : memref<4x128xi32, #tpu.memory_space<vmem>> -> memref<1x128xi32, #tpu.memory_space<vmem>>
      %dma_wait3A_103 = tpu.memref_squeeze %dma_wait3A_102 : memref<1x128xi32, #tpu.memory_space<vmem>> -> memref<128xi32, #tpu.memory_space<vmem>>
      %dma_wait3A_104 = tpu.memref_slice %arg3[%add3A_12] : memref<16384xi32, #tpu.memory_space<hbm>> -> memref<128xi32, #tpu.memory_space<hbm>>
      %dma_wait3A_105 = arith.constant 0 : i32
      %dma_wait3A_106 = tpu.memref_slice %arg5[%run_scoped3A_13, %dma_wait3A_105] : memref<4x128xi32, #tpu.memory_space<vmem>> -> memref<1x128xi32, #tpu.memory_space<vmem>>
      %dma_wait3A_107 = tpu.memref_squeeze %dma_wait3A_106 : memref<1x128xi32, #tpu.memory_space<vmem>> -> memref<128xi32, #tpu.memory_space<vmem>>
      %dma_wait3A_108 = tpu.memref_slice %arg3[%add3A_12] : memref<16384xi32, #tpu.memory_space<hbm>> -> memref<128xi32, #tpu.memory_space<hbm>>
      tpu.wait_dma2 semaphore(%run_scoped3A_92 : memref<!tpu.dma_semaphore, #tpu.memory_space<semaphore_mem>>) src(%dma_wait3A_108 : memref<128xi32, #tpu.memory_space<hbm>>) dst(%dma_wait3A_107 : memref<128xi32, #tpu.memory_space<vmem>>)
      tpu.yield
    }) : () -> ()
    %dma_start3A = arith.constant 0 : i32
    %dma_start3A_14 = arith.constant 0 : i32
    %dma_start3A_15 = arith.constant 0 : i32
    %dma_start3A_16 = tpu.memref_slice %arg6[%dma_start3A_14, %dma_start3A_15] : memref<512x128xf32, #tpu.memory_space<vmem>> -> memref<128x128xf32, #tpu.memory_space<vmem>>
    %dma_start3A_17 = arith.constant 0 : i32
    %dma_start3A_18 = tpu.memref_slice %arg5[%dma_start3A, %dma_start3A_17] : memref<4x128xi32, #tpu.memory_space<vmem>> -> memref<1x128xi32, #tpu.memory_space<vmem>>
    %dma_start3A_19 = tpu.memref_squeeze %dma_start3A_18 : memref<1x128xi32, #tpu.memory_space<vmem>> -> memref<128xi32, #tpu.memory_space<vmem>>
    %dma_start3A_20 = arith.constant 0 : i32
    %dma_start3A_21 = arith.constant 0 : i32
    %dma_start3A_22 = tpu.memref_slice %arg2[%dma_start3A_20, %dma_start3A_21] : memref<8192x128xf32, #tpu.memory_space<hbm>> -> memref<8192x128xf32, #tpu.memory_space<hbm>>
    tpu.enqueue_indirect_dma source(%dma_start3A_22 : memref<8192x128xf32, #tpu.memory_space<hbm>>) target(%dma_start3A_16 : memref<128x128xf32, #tpu.memory_space<vmem>>) offsets(%dma_start3A_19 : memref<128xi32, #tpu.memory_space<vmem>>) semaphore(%arg7 : memref<!tpu.dma_semaphore, #tpu.memory_space<semaphore_mem>>)
    %dma_start3A_23 = arith.constant 1 : i32
    %dma_start3A_24 = arith.constant 128 : i32
    %dma_start3A_25 = arith.constant 0 : i32
    %dma_start3A_26 = tpu.memref_slice %arg6[%dma_start3A_24, %dma_start3A_25] : memref<512x128xf32, #tpu.memory_space<vmem>> -> memref<128x128xf32, #tpu.memory_space<vmem>>
    %dma_start3A_27 = arith.constant 0 : i32
    %dma_start3A_28 = tpu.memref_slice %arg5[%dma_start3A_23, %dma_start3A_27] : memref<4x128xi32, #tpu.memory_space<vmem>> -> memref<1x128xi32, #tpu.memory_space<vmem>>
    %dma_start3A_29 = tpu.memref_squeeze %dma_start3A_28 : memref<1x128xi32, #tpu.memory_space<vmem>> -> memref<128xi32, #tpu.memory_space<vmem>>
    %dma_start3A_30 = arith.constant 0 : i32
    %dma_start3A_31 = arith.constant 0 : i32
    %dma_start3A_32 = tpu.memref_slice %arg2[%dma_start3A_30, %dma_start3A_31] : memref<8192x128xf32, #tpu.memory_space<hbm>> -> memref<8192x128xf32, #tpu.memory_space<hbm>>
    tpu.enqueue_indirect_dma source(%dma_start3A_32 : memref<8192x128xf32, #tpu.memory_space<hbm>>) target(%dma_start3A_26 : memref<128x128xf32, #tpu.memory_space<vmem>>) offsets(%dma_start3A_29 : memref<128xi32, #tpu.memory_space<vmem>>) semaphore(%arg7 : memref<!tpu.dma_semaphore, #tpu.memory_space<semaphore_mem>>)
    %dma_start3A_33 = arith.constant 2 : i32
    %dma_start3A_34 = arith.constant 256 : i32
    %dma_start3A_35 = arith.constant 0 : i32
    %dma_start3A_36 = tpu.memref_slice %arg6[%dma_start3A_34, %dma_start3A_35] : memref<512x128xf32, #tpu.memory_space<vmem>> -> memref<128x128xf32, #tpu.memory_space<vmem>>
    %dma_start3A_37 = arith.constant 0 : i32
    %dma_start3A_38 = tpu.memref_slice %arg5[%dma_start3A_33, %dma_start3A_37] : memref<4x128xi32, #tpu.memory_space<vmem>> -> memref<1x128xi32, #tpu.memory_space<vmem>>
    %dma_start3A_39 = tpu.memref_squeeze %dma_start3A_38 : memref<1x128xi32, #tpu.memory_space<vmem>> -> memref<128xi32, #tpu.memory_space<vmem>>
    %dma_start3A_40 = arith.constant 0 : i32
    %dma_start3A_41 = arith.constant 0 : i32
    %dma_start3A_42 = tpu.memref_slice %arg2[%dma_start3A_40, %dma_start3A_41] : memref<8192x128xf32, #tpu.memory_space<hbm>> -> memref<8192x128xf32, #tpu.memory_space<hbm>>
    tpu.enqueue_indirect_dma source(%dma_start3A_42 : memref<8192x128xf32, #tpu.memory_space<hbm>>) target(%dma_start3A_36 : memref<128x128xf32, #tpu.memory_space<vmem>>) offsets(%dma_start3A_39 : memref<128xi32, #tpu.memory_space<vmem>>) semaphore(%arg7 : memref<!tpu.dma_semaphore, #tpu.memory_space<semaphore_mem>>)
    %dma_start3A_43 = arith.constant 3 : i32
    %dma_start3A_44 = arith.constant 384 : i32
    %dma_start3A_45 = arith.constant 0 : i32
    %dma_start3A_46 = tpu.memref_slice %arg6[%dma_start3A_44, %dma_start3A_45] : memref<512x128xf32, #tpu.memory_space<vmem>> -> memref<128x128xf32, #tpu.memory_space<vmem>>
    %dma_start3A_47 = arith.constant 0 : i32
    %dma_start3A_48 = tpu.memref_slice %arg5[%dma_start3A_43, %dma_start3A_47] : memref<4x128xi32, #tpu.memory_space<vmem>> -> memref<1x128xi32, #tpu.memory_space<vmem>>
    %dma_start3A_49 = tpu.memref_squeeze %dma_start3A_48 : memref<1x128xi32, #tpu.memory_space<vmem>> -> memref<128xi32, #tpu.memory_space<vmem>>
    %dma_start3A_50 = arith.constant 0 : i32
    %dma_start3A_51 = arith.constant 0 : i32
    %dma_start3A_52 = tpu.memref_slice %arg2[%dma_start3A_50, %dma_start3A_51] : memref<8192x128xf32, #tpu.memory_space<hbm>> -> memref<8192x128xf32, #tpu.memory_space<hbm>>
    tpu.enqueue_indirect_dma source(%dma_start3A_52 : memref<8192x128xf32, #tpu.memory_space<hbm>>) target(%dma_start3A_46 : memref<128x128xf32, #tpu.memory_space<vmem>>) offsets(%dma_start3A_49 : memref<128xi32, #tpu.memory_space<vmem>>) semaphore(%arg7 : memref<!tpu.dma_semaphore, #tpu.memory_space<semaphore_mem>>)
    %dma_wait3A = arith.constant 0 : i32
    %dma_wait3A_53 = arith.constant 0 : i32
    %dma_wait3A_54 = arith.constant 0 : i32
    %dma_wait3A_55 = tpu.memref_slice %arg6[%dma_wait3A_53, %dma_wait3A_54] : memref<512x128xf32, #tpu.memory_space<vmem>> -> memref<128x128xf32, #tpu.memory_space<vmem>>
    %dma_wait3A_56 = arith.constant 0 : i32
    %dma_wait3A_57 = tpu.memref_slice %arg5[%dma_wait3A, %dma_wait3A_56] : memref<4x128xi32, #tpu.memory_space<vmem>> -> memref<1x128xi32, #tpu.memory_space<vmem>>
    %dma_wait3A_58 = tpu.memref_squeeze %dma_wait3A_57 : memref<1x128xi32, #tpu.memory_space<vmem>> -> memref<128xi32, #tpu.memory_space<vmem>>
    %dma_wait3A_59 = arith.constant 0 : i32
    %dma_wait3A_60 = arith.constant 0 : i32
    %dma_wait3A_61 = tpu.memref_slice %arg2[%dma_wait3A_59, %dma_wait3A_60] : memref<8192x128xf32, #tpu.memory_space<hbm>> -> memref<8192x128xf32, #tpu.memory_space<hbm>>
    tpu.wait_indirect_dma semaphore(%arg7 : memref<!tpu.dma_semaphore, #tpu.memory_space<semaphore_mem>>) src(%dma_wait3A_61 : memref<8192x128xf32, #tpu.memory_space<hbm>>) dst(%dma_wait3A_55 : memref<128x128xf32, #tpu.memory_space<vmem>>)
    %dma_wait3A_62 = arith.constant 1 : i32
    %dma_wait3A_63 = arith.constant 128 : i32
    %dma_wait3A_64 = arith.constant 0 : i32
    %dma_wait3A_65 = tpu.memref_slice %arg6[%dma_wait3A_63, %dma_wait3A_64] : memref<512x128xf32, #tpu.memory_space<vmem>> -> memref<128x128xf32, #tpu.memory_space<vmem>>
    %dma_wait3A_66 = arith.constant 0 : i32
    %dma_wait3A_67 = tpu.memref_slice %arg5[%dma_wait3A_62, %dma_wait3A_66] : memref<4x128xi32, #tpu.memory_space<vmem>> -> memref<1x128xi32, #tpu.memory_space<vmem>>
    %dma_wait3A_68 = tpu.memref_squeeze %dma_wait3A_67 : memref<1x128xi32, #tpu.memory_space<vmem>> -> memref<128xi32, #tpu.memory_space<vmem>>
    %dma_wait3A_69 = arith.constant 0 : i32
    %dma_wait3A_70 = arith.constant 0 : i32
    %dma_wait3A_71 = tpu.memref_slice %arg2[%dma_wait3A_69, %dma_wait3A_70] : memref<8192x128xf32, #tpu.memory_space<hbm>> -> memref<8192x128xf32, #tpu.memory_space<hbm>>
    tpu.wait_indirect_dma semaphore(%arg7 : memref<!tpu.dma_semaphore, #tpu.memory_space<semaphore_mem>>) src(%dma_wait3A_71 : memref<8192x128xf32, #tpu.memory_space<hbm>>) dst(%dma_wait3A_65 : memref<128x128xf32, #tpu.memory_space<vmem>>)
    %dma_wait3A_72 = arith.constant 2 : i32
    %dma_wait3A_73 = arith.constant 256 : i32
    %dma_wait3A_74 = arith.constant 0 : i32
    %dma_wait3A_75 = tpu.memref_slice %arg6[%dma_wait3A_73, %dma_wait3A_74] : memref<512x128xf32, #tpu.memory_space<vmem>> -> memref<128x128xf32, #tpu.memory_space<vmem>>
    %dma_wait3A_76 = arith.constant 0 : i32
    %dma_wait3A_77 = tpu.memref_slice %arg5[%dma_wait3A_72, %dma_wait3A_76] : memref<4x128xi32, #tpu.memory_space<vmem>> -> memref<1x128xi32, #tpu.memory_space<vmem>>
    %dma_wait3A_78 = tpu.memref_squeeze %dma_wait3A_77 : memref<1x128xi32, #tpu.memory_space<vmem>> -> memref<128xi32, #tpu.memory_space<vmem>>
    %dma_wait3A_79 = arith.constant 0 : i32
    %dma_wait3A_80 = arith.constant 0 : i32
    %dma_wait3A_81 = tpu.memref_slice %arg2[%dma_wait3A_79, %dma_wait3A_80] : memref<8192x128xf32, #tpu.memory_space<hbm>> -> memref<8192x128xf32, #tpu.memory_space<hbm>>
    tpu.wait_indirect_dma semaphore(%arg7 : memref<!tpu.dma_semaphore, #tpu.memory_space<semaphore_mem>>) src(%dma_wait3A_81 : memref<8192x128xf32, #tpu.memory_space<hbm>>) dst(%dma_wait3A_75 : memref<128x128xf32, #tpu.memory_space<vmem>>)
    %dma_wait3A_82 = arith.constant 3 : i32
    %dma_wait3A_83 = arith.constant 384 : i32
    %dma_wait3A_84 = arith.constant 0 : i32
    %dma_wait3A_85 = tpu.memref_slice %arg6[%dma_wait3A_83, %dma_wait3A_84] : memref<512x128xf32, #tpu.memory_space<vmem>> -> memref<128x128xf32, #tpu.memory_space<vmem>>
    %dma_wait3A_86 = arith.constant 0 : i32
    %dma_wait3A_87 = tpu.memref_slice %arg5[%dma_wait3A_82, %dma_wait3A_86] : memref<4x128xi32, #tpu.memory_space<vmem>> -> memref<1x128xi32, #tpu.memory_space<vmem>>
    %dma_wait3A_88 = tpu.memref_squeeze %dma_wait3A_87 : memref<1x128xi32, #tpu.memory_space<vmem>> -> memref<128xi32, #tpu.memory_space<vmem>>
    %dma_wait3A_89 = arith.constant 0 : i32
    %dma_wait3A_90 = arith.constant 0 : i32
    %dma_wait3A_91 = tpu.memref_slice %arg2[%dma_wait3A_89, %dma_wait3A_90] : memref<8192x128xf32, #tpu.memory_space<hbm>> -> memref<8192x128xf32, #tpu.memory_space<hbm>>
    tpu.wait_indirect_dma semaphore(%arg7 : memref<!tpu.dma_semaphore, #tpu.memory_space<semaphore_mem>>) src(%dma_wait3A_91 : memref<8192x128xf32, #tpu.memory_space<hbm>>) dst(%dma_wait3A_85 : memref<128x128xf32, #tpu.memory_space<vmem>>)
    "tpu.region"() ({
      %run_scoped3A_92 = tpu.sem_alloc : memref<!tpu.dma_semaphore, #tpu.memory_space<semaphore_mem>>
      %dma_start3A_93 = arith.constant 0 : i32
      %dma_start3A_94 = tpu.memref_slice %arg4[%mul3A_2, %dma_start3A_93] : memref<16384x128xf32, #tpu.memory_space<hbm>> -> memref<512x128xf32, #tpu.memory_space<hbm>>
      %dma_start3A_95 = arith.constant 0 : i32
      %dma_start3A_96 = tpu.memref_slice %arg4[%mul3A_2, %dma_start3A_95] : memref<16384x128xf32, #tpu.memory_space<hbm>> -> memref<512x128xf32, #tpu.memory_space<hbm>>
      tpu.enqueue_dma source(%arg6 : memref<512x128xf32, #tpu.memory_space<vmem>>) target(%dma_start3A_96 : memref<512x128xf32, #tpu.memory_space<hbm>>) target_semaphore(%run_scoped3A_92 : memref<!tpu.dma_semaphore, #tpu.memory_space<semaphore_mem>>)
      %dma_wait3A_97 = arith.constant 0 : i32
      %dma_wait3A_98 = tpu.memref_slice %arg4[%mul3A_2, %dma_wait3A_97] : memref<16384x128xf32, #tpu.memory_space<hbm>> -> memref<512x128xf32, #tpu.memory_space<hbm>>
      %dma_wait3A_99 = arith.constant 0 : i32
      %dma_wait3A_100 = tpu.memref_slice %arg4[%mul3A_2, %dma_wait3A_99] : memref<16384x128xf32, #tpu.memory_space<hbm>> -> memref<512x128xf32, #tpu.memory_space<hbm>>
      tpu.wait_dma2 semaphore(%run_scoped3A_92 : memref<!tpu.dma_semaphore, #tpu.memory_space<semaphore_mem>>) src(%arg6 : memref<512x128xf32, #tpu.memory_space<vmem>>) dst(%dma_wait3A_100 : memref<512x128xf32, #tpu.memory_space<hbm>>)
      tpu.yield
    }) : () -> ()
    return
  }
}

module attributes {stable_mosaic.version = 14 : i64} {
  func.func @_tc_body(%arg0: i32, %arg1: memref<1024x64xf32, #tpu.memory_space<vmem>>, %arg2: memref<8192x64xf32, #tpu.memory_space<vmem>>, %arg3: memref<64x32xf32, #tpu.memory_space<vmem>>, %arg4: memref<1x32xf32, #tpu.memory_space<vmem>>, %arg5: memref<1x8x128xi32, #tpu.memory_space<vmem>>, %arg6: memref<8192x128xf32, #tpu.memory_space<vmem>>, %arg7: memref<40x8192xbf16, #tpu.memory_space<vmem>>) attributes {dimension_semantics = [#tpu.dimension_semantics<arbitrary>], iteration_bounds = array<i64: 16>, scalar_prefetch = 0 : i64, scratch_operands = 1 : i64, tpu.core_type = #tpu.core_type<tc>, window_params = [{transform_indices = @transform_0, window_bounds = array<i64: 1024, 64>}, {pipeline_mode = #tpu.pipeline_mode<synchronous>, transform_indices = @transform_1, window_bounds = array<i64: 8192, 64>}, {pipeline_mode = #tpu.pipeline_mode<synchronous>, transform_indices = @transform_2, window_bounds = array<i64: 64, 32>}, {pipeline_mode = #tpu.pipeline_mode<synchronous>, transform_indices = @transform_3, window_bounds = array<i64: 1, 32>}, {transform_indices = @transform_4, window_bounds = array<i64: 1, 8, 128>}, {pipeline_mode = #tpu.pipeline_mode<synchronous>, transform_indices = @transform_5, window_bounds = array<i64: 8192, 128>}]} {
    %eq3A = arith.constant 0 : i32
    %eq3A_0 = arith.cmpi eq, %arg0, %eq3A : i32
    %convert_element_type3A = arith.extui %eq3A_0 : i1 to i32
    %cond3A = arith.constant 0 : i32
    %cond3A_1 = arith.cmpi ne, %convert_element_type3A, %cond3A : i32
    scf.if %cond3A_1 {
      %get3A_423 = arith.constant 0 : index
      %get3A_424 = arith.constant 0 : index
      %get3A_425 = vector.load %arg2[%get3A_423, %get3A_424] : memref<8192x64xf32, #tpu.memory_space<vmem>>, vector<8192x64xf32>
      %get3A_426 = arith.constant 0 : index
      %get3A_427 = arith.constant 0 : index
      %get3A_428 = vector.load %arg3[%get3A_426, %get3A_427] : memref<64x32xf32, #tpu.memory_space<vmem>>, vector<64x32xf32>
      %dot_general3A_429 = arith.constant dense<0.000000e+00> : vector<8192x32xf32>
      %dot_general3A_430 = tpu.matmul %get3A_425, %get3A_428, %dot_general3A_429 {dimension_numbers = #tpu.dot_dimension_numbers<[1], [0], [0], [1], [0, 0, 1, 1], [], []>, transpose_lhs_hint = false} : vector<8192x64xf32>, vector<64x32xf32>, vector<8192x32xf32> -> vector<8192x32xf32>
      %get3A_431 = arith.constant 0 : index
      %get3A_432 = arith.constant 0 : index
      %get3A_433 = vector.load %arg4[%get3A_431, %get3A_432] : memref<1x32xf32, #tpu.memory_space<vmem>>, vector<1x32xf32>
      %add3A_434 = vector.broadcast %get3A_433 : vector<1x32xf32> to vector<8192x32xf32>
      %add3A_435 = arith.addf %dot_general3A_430, %add3A_434 : vector<8192x32xf32>
      %mul3A_436 = arith.mulf %add3A_435, %add3A_435 : vector<8192x32xf32>
      %reduce_sum3A_437 = arith.constant dense<0.000000e+00> : vector<8192xf32>
      %reduce_sum3A_438 = vector.multi_reduction <add>, %mul3A_436, %reduce_sum3A_437 [1] : vector<8192x32xf32> to vector<8192xf32>
      %broadcast_in_dim3A_439 = vector.shape_cast %reduce_sum3A_438 : vector<8192xf32> to vector<8192x1xf32>
      %sqrt3A_440 = math.sqrt %broadcast_in_dim3A_439 : vector<8192x1xf32>
      %max3A_441 = arith.constant 9.99999996E-13 : f32
      %max3A_442 = vector.broadcast %max3A_441 : f32 to vector<8192x1xf32>
      %max3A_443 = arith.maximumf %sqrt3A_440, %max3A_442 : vector<8192x1xf32>
      %div3A_444 = arith.constant 1.000000e+00 : f32
      %div3A_445 = vector.broadcast %div3A_444 : f32 to vector<8192x1xf32>
      %div3A_446 = arith.divf %div3A_445, %max3A_443 : vector<8192x1xf32>
      %mul3A_447 = vector.broadcast %div3A_446 : vector<8192x1xf32> to vector<8192x32xf32>
      %mul3A_448 = arith.mulf %add3A_435, %mul3A_447 : vector<8192x32xf32>
      %mul3A_449 = arith.mulf %mul3A_448, %mul3A_448 : vector<8192x32xf32>
      %reduce_sum3A_450 = arith.constant dense<0.000000e+00> : vector<8192xf32>
      %reduce_sum3A_451 = vector.multi_reduction <add>, %mul3A_449, %reduce_sum3A_450 [1] : vector<8192x32xf32> to vector<8192xf32>
      %broadcast_in_dim3A_452 = vector.shape_cast %reduce_sum3A_451 : vector<8192xf32> to vector<8192x1xf32>
      %mul3A_453 = arith.constant -5.000000e-01 : f32
      %mul3A_454 = vector.broadcast %mul3A_453 : f32 to vector<8192x1xf32>
      %mul3A_455 = arith.mulf %mul3A_454, %broadcast_in_dim3A_452 : vector<8192x1xf32>
      %broadcast_in_dim3A_456 = arith.constant 0.000000e+00 : f32
      %broadcast_in_dim3A_457 = vector.broadcast %broadcast_in_dim3A_456 : f32 to vector<8192x7xf32>
      %concatenate3A_458 = tpu.concatenate %mul3A_448, %mul3A_455, %broadcast_in_dim3A_457 in 1 : vector<8192x32xf32>, vector<8192x1xf32>, vector<8192x7xf32> -> vector<8192x40xf32>
      %transpose3A = tpu.transpose %concatenate3A_458, [1, 0] : vector<8192x40xf32> -> vector<40x8192xf32>
      %convert_element_type3A_459 = arith.truncf %transpose3A : vector<40x8192xf32> to vector<40x8192xbf16>
      %swap3A_460 = arith.constant 0 : index
      %swap3A_461 = arith.constant 0 : index
      %swap3A_462 = vector.load %arg7[%swap3A_460, %swap3A_461] : memref<40x8192xbf16, #tpu.memory_space<vmem>>, vector<40x8192xbf16>
      tpu.vector_store %arg7[%swap3A_460, %swap3A_461], %convert_element_type3A_459 {strides = array<i32>} : memref<40x8192xbf16, #tpu.memory_space<vmem>>, vector<40x8192xbf16>,
      %mul3A_463 = arith.mulf %get3A_425, %get3A_425 : vector<8192x64xf32>
      %reduce_sum3A_464 = arith.constant dense<0.000000e+00> : vector<8192xf32>
      %reduce_sum3A_465 = vector.multi_reduction <add>, %mul3A_463, %reduce_sum3A_464 [1] : vector<8192x64xf32> to vector<8192xf32>
      %broadcast_in_dim3A_466 = vector.shape_cast %reduce_sum3A_465 : vector<8192xf32> to vector<8192x1xf32>
      %sqrt3A_467 = math.sqrt %broadcast_in_dim3A_466 : vector<8192x1xf32>
      %max3A_468 = arith.constant 9.99999996E-13 : f32
      %max3A_469 = vector.broadcast %max3A_468 : f32 to vector<8192x1xf32>
      %max3A_470 = arith.maximumf %sqrt3A_467, %max3A_469 : vector<8192x1xf32>
      %div3A_471 = arith.constant 1.000000e+00 : f32
      %div3A_472 = vector.broadcast %div3A_471 : f32 to vector<8192x1xf32>
      %div3A_473 = arith.divf %div3A_472, %max3A_470 : vector<8192x1xf32>
      %mul3A_474 = vector.broadcast %div3A_473 : vector<8192x1xf32> to vector<8192x64xf32>
      %mul3A_475 = arith.mulf %get3A_425, %mul3A_474 : vector<8192x64xf32>
      %broadcast_in_dim3A_476 = arith.constant 0.000000e+00 : f32
      %broadcast_in_dim3A_477 = vector.broadcast %broadcast_in_dim3A_476 : f32 to vector<8192x64xf32>
      %concatenate3A_478 = tpu.concatenate %mul3A_475, %broadcast_in_dim3A_477 in 1 : vector<8192x64xf32>, vector<8192x64xf32> -> vector<8192x128xf32>
      %swap3A_479 = arith.constant 0 : index
      %swap3A_480 = arith.constant 0 : index
      %swap3A_481 = vector.load %arg6[%swap3A_479, %swap3A_480] : memref<8192x128xf32, #tpu.memory_space<vmem>>, vector<8192x128xf32>
      tpu.vector_store %arg6[%swap3A_479, %swap3A_480], %concatenate3A_478 {strides = array<i32>} : memref<8192x128xf32, #tpu.memory_space<vmem>>, vector<8192x128xf32>,
    } else {
    }
    %get3A = arith.constant 0 : index
    %get3A_2 = arith.constant 0 : index
    %get3A_3 = vector.load %arg1[%get3A, %get3A_2] : memref<1024x64xf32, #tpu.memory_space<vmem>>, vector<1024x64xf32>
    %get3A_4 = arith.constant 0 : index
    %get3A_5 = arith.constant 0 : index
    %get3A_6 = vector.load %arg3[%get3A_4, %get3A_5] : memref<64x32xf32, #tpu.memory_space<vmem>>, vector<64x32xf32>
    %dot_general3A = arith.constant dense<0.000000e+00> : vector<1024x32xf32>
    %dot_general3A_7 = tpu.matmul %get3A_3, %get3A_6, %dot_general3A {dimension_numbers = #tpu.dot_dimension_numbers<[1], [0], [0], [1], [0, 0, 1, 1], [], []>, transpose_lhs_hint = false} : vector<1024x64xf32>, vector<64x32xf32>, vector<1024x32xf32> -> vector<1024x32xf32>
    %get3A_8 = arith.constant 0 : index
    %get3A_9 = arith.constant 0 : index
    %get3A_10 = vector.load %arg4[%get3A_8, %get3A_9] : memref<1x32xf32, #tpu.memory_space<vmem>>, vector<1x32xf32>
    %add3A = vector.broadcast %get3A_10 : vector<1x32xf32> to vector<1024x32xf32>
    %add3A_11 = arith.addf %dot_general3A_7, %add3A : vector<1024x32xf32>
    %mul3A = arith.mulf %add3A_11, %add3A_11 : vector<1024x32xf32>
    %reduce_sum3A = arith.constant dense<0.000000e+00> : vector<1024xf32>
    %reduce_sum3A_12 = vector.multi_reduction <add>, %mul3A, %reduce_sum3A [1] : vector<1024x32xf32> to vector<1024xf32>
    %broadcast_in_dim3A = vector.shape_cast %reduce_sum3A_12 : vector<1024xf32> to vector<1024x1xf32>
    %sqrt3A = math.sqrt %broadcast_in_dim3A : vector<1024x1xf32>
    %max3A = arith.constant 9.99999996E-13 : f32
    %max3A_13 = vector.broadcast %max3A : f32 to vector<1024x1xf32>
    %max3A_14 = arith.maximumf %sqrt3A, %max3A_13 : vector<1024x1xf32>
    %div3A = arith.constant 1.000000e+00 : f32
    %div3A_15 = vector.broadcast %div3A : f32 to vector<1024x1xf32>
    %div3A_16 = arith.divf %div3A_15, %max3A_14 : vector<1024x1xf32>
    %mul3A_17 = vector.broadcast %div3A_16 : vector<1024x1xf32> to vector<1024x32xf32>
    %mul3A_18 = arith.mulf %add3A_11, %mul3A_17 : vector<1024x32xf32>
    %broadcast_in_dim3A_19 = arith.constant 1.000000e+00 : f32
    %broadcast_in_dim3A_20 = vector.broadcast %broadcast_in_dim3A_19 : f32 to vector<1024x1xf32>
    %broadcast_in_dim3A_21 = arith.constant 0.000000e+00 : f32
    %broadcast_in_dim3A_22 = vector.broadcast %broadcast_in_dim3A_21 : f32 to vector<1024x7xf32>
    %concatenate3A = tpu.concatenate %mul3A_18, %broadcast_in_dim3A_20, %broadcast_in_dim3A_22 in 1 : vector<1024x32xf32>, vector<1024x1xf32>, vector<1024x7xf32> -> vector<1024x40xf32>
    %convert_element_type3A_23 = arith.truncf %concatenate3A : vector<1024x40xf32> to vector<1024x40xbf16>
    %get3A_24 = arith.constant 0 : index
    %get3A_25 = arith.constant 0 : index
    %get3A_26 = vector.load %arg7[%get3A_24, %get3A_25] : memref<40x8192xbf16, #tpu.memory_space<vmem>>, vector<40x8192xbf16>
    %dot_general3A_27 = arith.constant dense<0.000000e+00> : vector<1024x8192xf32>
    %dot_general3A_28 = tpu.matmul %convert_element_type3A_23, %get3A_26, %dot_general3A_27 {dimension_numbers = #tpu.dot_dimension_numbers<[1], [0], [0], [1], [0, 0, 1, 1], [], []>, transpose_lhs_hint = false} : vector<1024x40xbf16>, vector<40x8192xbf16>, vector<1024x8192xf32> -> vector<1024x8192xf32>
    %slice3A = vector.extract_strided_slice %dot_general3A_28 {offsets = [0, 0], sizes = [1024, 128], strides = [1, 1]} : vector<1024x8192xf32> to vector<1024x128xf32>
    %broadcast_in_dim3A_29 = arith.constant 0 : i32
    %broadcast_in_dim3A_30 = vector.broadcast %broadcast_in_dim3A_29 : i32 to vector<1024x128xi32>
    %slice3A_31 = vector.extract_strided_slice %dot_general3A_28 {offsets = [0, 128], sizes = [1024, 128], strides = [1, 1]} : vector<1024x8192xf32> to vector<1024x128xf32>
    %gt3A = arith.cmpf ogt, %slice3A_31, %slice3A : vector<1024x128xf32>
    %max3A_32 = arith.maximumf %slice3A, %slice3A_31 : vector<1024x128xf32>
    %jit3A = arith.constant 1 : i32
    %broadcast_in_dim3A_33 = vector.broadcast %jit3A : i32 to vector<1024x128xi32>
    %select_n3A = arith.select %gt3A, %broadcast_in_dim3A_33, %broadcast_in_dim3A_30 : vector<1024x128xi1>, vector<1024x128xi32>
    %slice3A_34 = vector.extract_strided_slice %dot_general3A_28 {offsets = [0, 256], sizes = [1024, 128], strides = [1, 1]} : vector<1024x8192xf32> to vector<1024x128xf32>
    %gt3A_35 = arith.cmpf ogt, %slice3A_34, %max3A_32 : vector<1024x128xf32>
    %max3A_36 = arith.maximumf %max3A_32, %slice3A_34 : vector<1024x128xf32>
    %jit3A_37 = arith.constant 2 : i32
    %broadcast_in_dim3A_38 = vector.broadcast %jit3A_37 : i32 to vector<1024x128xi32>
    %select_n3A_39 = arith.select %gt3A_35, %broadcast_in_dim3A_38, %select_n3A : vector<1024x128xi1>, vector<1024x128xi32>
    %slice3A_40 = vector.extract_strided_slice %dot_general3A_28 {offsets = [0, 384], sizes = [1024, 128], strides = [1, 1]} : vector<1024x8192xf32> to vector<1024x128xf32>
    %gt3A_41 = arith.cmpf ogt, %slice3A_40, %max3A_36 : vector<1024x128xf32>
    %max3A_42 = arith.maximumf %max3A_36, %slice3A_40 : vector<1024x128xf32>
    %jit3A_43 = arith.constant 3 : i32
    %broadcast_in_dim3A_44 = vector.broadcast %jit3A_43 : i32 to vector<1024x128xi32>
    %select_n3A_45 = arith.select %gt3A_41, %broadcast_in_dim3A_44, %select_n3A_39 : vector<1024x128xi1>, vector<1024x128xi32>
    %slice3A_46 = vector.extract_strided_slice %dot_general3A_28 {offsets = [0, 512], sizes = [1024, 128], strides = [1, 1]} : vector<1024x8192xf32> to vector<1024x128xf32>
    %gt3A_47 = arith.cmpf ogt, %slice3A_46, %max3A_42 : vector<1024x128xf32>
    %max3A_48 = arith.maximumf %max3A_42, %slice3A_46 : vector<1024x128xf32>
    %jit3A_49 = arith.constant 4 : i32
    %broadcast_in_dim3A_50 = vector.broadcast %jit3A_49 : i32 to vector<1024x128xi32>
    %select_n3A_51 = arith.select %gt3A_47, %broadcast_in_dim3A_50, %select_n3A_45 : vector<1024x128xi1>, vector<1024x128xi32>
    %slice3A_52 = vector.extract_strided_slice %dot_general3A_28 {offsets = [0, 640], sizes = [1024, 128], strides = [1, 1]} : vector<1024x8192xf32> to vector<1024x128xf32>
    %gt3A_53 = arith.cmpf ogt, %slice3A_52, %max3A_48 : vector<1024x128xf32>
    %max3A_54 = arith.maximumf %max3A_48, %slice3A_52 : vector<1024x128xf32>
    %jit3A_55 = arith.constant 5 : i32
    %broadcast_in_dim3A_56 = vector.broadcast %jit3A_55 : i32 to vector<1024x128xi32>
    %select_n3A_57 = arith.select %gt3A_53, %broadcast_in_dim3A_56, %select_n3A_51 : vector<1024x128xi1>, vector<1024x128xi32>
    %slice3A_58 = vector.extract_strided_slice %dot_general3A_28 {offsets = [0, 768], sizes = [1024, 128], strides = [1, 1]} : vector<1024x8192xf32> to vector<1024x128xf32>
    %gt3A_59 = arith.cmpf ogt, %slice3A_58, %max3A_54 : vector<1024x128xf32>
    %max3A_60 = arith.maximumf %max3A_54, %slice3A_58 : vector<1024x128xf32>
    %jit3A_61 = arith.constant 6 : i32
    %broadcast_in_dim3A_62 = vector.broadcast %jit3A_61 : i32 to vector<1024x128xi32>
    %select_n3A_63 = arith.select %gt3A_59, %broadcast_in_dim3A_62, %select_n3A_57 : vector<1024x128xi1>, vector<1024x128xi32>
    %slice3A_64 = vector.extract_strided_slice %dot_general3A_28 {offsets = [0, 896], sizes = [1024, 128], strides = [1, 1]} : vector<1024x8192xf32> to vector<1024x128xf32>
    %gt3A_65 = arith.cmpf ogt, %slice3A_64, %max3A_60 : vector<1024x128xf32>
    %max3A_66 = arith.maximumf %max3A_60, %slice3A_64 : vector<1024x128xf32>
    %jit3A_67 = arith.constant 7 : i32
    %broadcast_in_dim3A_68 = vector.broadcast %jit3A_67 : i32 to vector<1024x128xi32>
    %select_n3A_69 = arith.select %gt3A_65, %broadcast_in_dim3A_68, %select_n3A_63 : vector<1024x128xi1>, vector<1024x128xi32>
    %slice3A_70 = vector.extract_strided_slice %dot_general3A_28 {offsets = [0, 1024], sizes = [1024, 128], strides = [1, 1]} : vector<1024x8192xf32> to vector<1024x128xf32>
    %gt3A_71 = arith.cmpf ogt, %slice3A_70, %max3A_66 : vector<1024x128xf32>
    %max3A_72 = arith.maximumf %max3A_66, %slice3A_70 : vector<1024x128xf32>
    %jit3A_73 = arith.constant 8 : i32
    %broadcast_in_dim3A_74 = vector.broadcast %jit3A_73 : i32 to vector<1024x128xi32>
    %select_n3A_75 = arith.select %gt3A_71, %broadcast_in_dim3A_74, %select_n3A_69 : vector<1024x128xi1>, vector<1024x128xi32>
    %slice3A_76 = vector.extract_strided_slice %dot_general3A_28 {offsets = [0, 1152], sizes = [1024, 128], strides = [1, 1]} : vector<1024x8192xf32> to vector<1024x128xf32>
    %gt3A_77 = arith.cmpf ogt, %slice3A_76, %max3A_72 : vector<1024x128xf32>
    %max3A_78 = arith.maximumf %max3A_72, %slice3A_76 : vector<1024x128xf32>
    %jit3A_79 = arith.constant 9 : i32
    %broadcast_in_dim3A_80 = vector.broadcast %jit3A_79 : i32 to vector<1024x128xi32>
    %select_n3A_81 = arith.select %gt3A_77, %broadcast_in_dim3A_80, %select_n3A_75 : vector<1024x128xi1>, vector<1024x128xi32>
    %slice3A_82 = vector.extract_strided_slice %dot_general3A_28 {offsets = [0, 1280], sizes = [1024, 128], strides = [1, 1]} : vector<1024x8192xf32> to vector<1024x128xf32>
    %gt3A_83 = arith.cmpf ogt, %slice3A_82, %max3A_78 : vector<1024x128xf32>
    %max3A_84 = arith.maximumf %max3A_78, %slice3A_82 : vector<1024x128xf32>
    %jit3A_85 = arith.constant 10 : i32
    %broadcast_in_dim3A_86 = vector.broadcast %jit3A_85 : i32 to vector<1024x128xi32>
    %select_n3A_87 = arith.select %gt3A_83, %broadcast_in_dim3A_86, %select_n3A_81 : vector<1024x128xi1>, vector<1024x128xi32>
    %slice3A_88 = vector.extract_strided_slice %dot_general3A_28 {offsets = [0, 1408], sizes = [1024, 128], strides = [1, 1]} : vector<1024x8192xf32> to vector<1024x128xf32>
    %gt3A_89 = arith.cmpf ogt, %slice3A_88, %max3A_84 : vector<1024x128xf32>
    %max3A_90 = arith.maximumf %max3A_84, %slice3A_88 : vector<1024x128xf32>
    %jit3A_91 = arith.constant 11 : i32
    %broadcast_in_dim3A_92 = vector.broadcast %jit3A_91 : i32 to vector<1024x128xi32>
    %select_n3A_93 = arith.select %gt3A_89, %broadcast_in_dim3A_92, %select_n3A_87 : vector<1024x128xi1>, vector<1024x128xi32>
    %slice3A_94 = vector.extract_strided_slice %dot_general3A_28 {offsets = [0, 1536], sizes = [1024, 128], strides = [1, 1]} : vector<1024x8192xf32> to vector<1024x128xf32>
    %gt3A_95 = arith.cmpf ogt, %slice3A_94, %max3A_90 : vector<1024x128xf32>
    %max3A_96 = arith.maximumf %max3A_90, %slice3A_94 : vector<1024x128xf32>
    %jit3A_97 = arith.constant 12 : i32
    %broadcast_in_dim3A_98 = vector.broadcast %jit3A_97 : i32 to vector<1024x128xi32>
    %select_n3A_99 = arith.select %gt3A_95, %broadcast_in_dim3A_98, %select_n3A_93 : vector<1024x128xi1>, vector<1024x128xi32>
    %slice3A_100 = vector.extract_strided_slice %dot_general3A_28 {offsets = [0, 1664], sizes = [1024, 128], strides = [1, 1]} : vector<1024x8192xf32> to vector<1024x128xf32>
    %gt3A_101 = arith.cmpf ogt, %slice3A_100, %max3A_96 : vector<1024x128xf32>
    %max3A_102 = arith.maximumf %max3A_96, %slice3A_100 : vector<1024x128xf32>
    %jit3A_103 = arith.constant 13 : i32
    %broadcast_in_dim3A_104 = vector.broadcast %jit3A_103 : i32 to vector<1024x128xi32>
    %select_n3A_105 = arith.select %gt3A_101, %broadcast_in_dim3A_104, %select_n3A_99 : vector<1024x128xi1>, vector<1024x128xi32>
    %slice3A_106 = vector.extract_strided_slice %dot_general3A_28 {offsets = [0, 1792], sizes = [1024, 128], strides = [1, 1]} : vector<1024x8192xf32> to vector<1024x128xf32>
    %gt3A_107 = arith.cmpf ogt, %slice3A_106, %max3A_102 : vector<1024x128xf32>
    %max3A_108 = arith.maximumf %max3A_102, %slice3A_106 : vector<1024x128xf32>
    %jit3A_109 = arith.constant 14 : i32
    %broadcast_in_dim3A_110 = vector.broadcast %jit3A_109 : i32 to vector<1024x128xi32>
    %select_n3A_111 = arith.select %gt3A_107, %broadcast_in_dim3A_110, %select_n3A_105 : vector<1024x128xi1>, vector<1024x128xi32>
    %slice3A_112 = vector.extract_strided_slice %dot_general3A_28 {offsets = [0, 1920], sizes = [1024, 128], strides = [1, 1]} : vector<1024x8192xf32> to vector<1024x128xf32>
    %gt3A_113 = arith.cmpf ogt, %slice3A_112, %max3A_108 : vector<1024x128xf32>
    %max3A_114 = arith.maximumf %max3A_108, %slice3A_112 : vector<1024x128xf32>
    %jit3A_115 = arith.constant 15 : i32
    %broadcast_in_dim3A_116 = vector.broadcast %jit3A_115 : i32 to vector<1024x128xi32>
    %select_n3A_117 = arith.select %gt3A_113, %broadcast_in_dim3A_116, %select_n3A_111 : vector<1024x128xi1>, vector<1024x128xi32>
    %slice3A_118 = vector.extract_strided_slice %dot_general3A_28 {offsets = [0, 2048], sizes = [1024, 128], strides = [1, 1]} : vector<1024x8192xf32> to vector<1024x128xf32>
    %gt3A_119 = arith.cmpf ogt, %slice3A_118, %max3A_114 : vector<1024x128xf32>
    %max3A_120 = arith.maximumf %max3A_114, %slice3A_118 : vector<1024x128xf32>
    %jit3A_121 = arith.constant 16 : i32
    %broadcast_in_dim3A_122 = vector.broadcast %jit3A_121 : i32 to vector<1024x128xi32>
    %select_n3A_123 = arith.select %gt3A_119, %broadcast_in_dim3A_122, %select_n3A_117 : vector<1024x128xi1>, vector<1024x128xi32>
    %slice3A_124 = vector.extract_strided_slice %dot_general3A_28 {offsets = [0, 2176], sizes = [1024, 128], strides = [1, 1]} : vector<1024x8192xf32> to vector<1024x128xf32>
    %gt3A_125 = arith.cmpf ogt, %slice3A_124, %max3A_120 : vector<1024x128xf32>
    %max3A_126 = arith.maximumf %max3A_120, %slice3A_124 : vector<1024x128xf32>
    %jit3A_127 = arith.constant 17 : i32
    %broadcast_in_dim3A_128 = vector.broadcast %jit3A_127 : i32 to vector<1024x128xi32>
    %select_n3A_129 = arith.select %gt3A_125, %broadcast_in_dim3A_128, %select_n3A_123 : vector<1024x128xi1>, vector<1024x128xi32>
    %slice3A_130 = vector.extract_strided_slice %dot_general3A_28 {offsets = [0, 2304], sizes = [1024, 128], strides = [1, 1]} : vector<1024x8192xf32> to vector<1024x128xf32>
    %gt3A_131 = arith.cmpf ogt, %slice3A_130, %max3A_126 : vector<1024x128xf32>
    %max3A_132 = arith.maximumf %max3A_126, %slice3A_130 : vector<1024x128xf32>
    %jit3A_133 = arith.constant 18 : i32
    %broadcast_in_dim3A_134 = vector.broadcast %jit3A_133 : i32 to vector<1024x128xi32>
    %select_n3A_135 = arith.select %gt3A_131, %broadcast_in_dim3A_134, %select_n3A_129 : vector<1024x128xi1>, vector<1024x128xi32>
    %slice3A_136 = vector.extract_strided_slice %dot_general3A_28 {offsets = [0, 2432], sizes = [1024, 128], strides = [1, 1]} : vector<1024x8192xf32> to vector<1024x128xf32>
    %gt3A_137 = arith.cmpf ogt, %slice3A_136, %max3A_132 : vector<1024x128xf32>
    %max3A_138 = arith.maximumf %max3A_132, %slice3A_136 : vector<1024x128xf32>
    %jit3A_139 = arith.constant 19 : i32
    %broadcast_in_dim3A_140 = vector.broadcast %jit3A_139 : i32 to vector<1024x128xi32>
    %select_n3A_141 = arith.select %gt3A_137, %broadcast_in_dim3A_140, %select_n3A_135 : vector<1024x128xi1>, vector<1024x128xi32>
    %slice3A_142 = vector.extract_strided_slice %dot_general3A_28 {offsets = [0, 2560], sizes = [1024, 128], strides = [1, 1]} : vector<1024x8192xf32> to vector<1024x128xf32>
    %gt3A_143 = arith.cmpf ogt, %slice3A_142, %max3A_138 : vector<1024x128xf32>
    %max3A_144 = arith.maximumf %max3A_138, %slice3A_142 : vector<1024x128xf32>
    %jit3A_145 = arith.constant 20 : i32
    %broadcast_in_dim3A_146 = vector.broadcast %jit3A_145 : i32 to vector<1024x128xi32>
    %select_n3A_147 = arith.select %gt3A_143, %broadcast_in_dim3A_146, %select_n3A_141 : vector<1024x128xi1>, vector<1024x128xi32>
    %slice3A_148 = vector.extract_strided_slice %dot_general3A_28 {offsets = [0, 2688], sizes = [1024, 128], strides = [1, 1]} : vector<1024x8192xf32> to vector<1024x128xf32>
    %gt3A_149 = arith.cmpf ogt, %slice3A_148, %max3A_144 : vector<1024x128xf32>
    %max3A_150 = arith.maximumf %max3A_144, %slice3A_148 : vector<1024x128xf32>
    %jit3A_151 = arith.constant 21 : i32
    %broadcast_in_dim3A_152 = vector.broadcast %jit3A_151 : i32 to vector<1024x128xi32>
    %select_n3A_153 = arith.select %gt3A_149, %broadcast_in_dim3A_152, %select_n3A_147 : vector<1024x128xi1>, vector<1024x128xi32>
    %slice3A_154 = vector.extract_strided_slice %dot_general3A_28 {offsets = [0, 2816], sizes = [1024, 128], strides = [1, 1]} : vector<1024x8192xf32> to vector<1024x128xf32>
    %gt3A_155 = arith.cmpf ogt, %slice3A_154, %max3A_150 : vector<1024x128xf32>
    %max3A_156 = arith.maximumf %max3A_150, %slice3A_154 : vector<1024x128xf32>
    %jit3A_157 = arith.constant 22 : i32
    %broadcast_in_dim3A_158 = vector.broadcast %jit3A_157 : i32 to vector<1024x128xi32>
    %select_n3A_159 = arith.select %gt3A_155, %broadcast_in_dim3A_158, %select_n3A_153 : vector<1024x128xi1>, vector<1024x128xi32>
    %slice3A_160 = vector.extract_strided_slice %dot_general3A_28 {offsets = [0, 2944], sizes = [1024, 128], strides = [1, 1]} : vector<1024x8192xf32> to vector<1024x128xf32>
    %gt3A_161 = arith.cmpf ogt, %slice3A_160, %max3A_156 : vector<1024x128xf32>
    %max3A_162 = arith.maximumf %max3A_156, %slice3A_160 : vector<1024x128xf32>
    %jit3A_163 = arith.constant 23 : i32
    %broadcast_in_dim3A_164 = vector.broadcast %jit3A_163 : i32 to vector<1024x128xi32>
    %select_n3A_165 = arith.select %gt3A_161, %broadcast_in_dim3A_164, %select_n3A_159 : vector<1024x128xi1>, vector<1024x128xi32>
    %slice3A_166 = vector.extract_strided_slice %dot_general3A_28 {offsets = [0, 3072], sizes = [1024, 128], strides = [1, 1]} : vector<1024x8192xf32> to vector<1024x128xf32>
    %gt3A_167 = arith.cmpf ogt, %slice3A_166, %max3A_162 : vector<1024x128xf32>
    %max3A_168 = arith.maximumf %max3A_162, %slice3A_166 : vector<1024x128xf32>
    %jit3A_169 = arith.constant 24 : i32
    %broadcast_in_dim3A_170 = vector.broadcast %jit3A_169 : i32 to vector<1024x128xi32>
    %select_n3A_171 = arith.select %gt3A_167, %broadcast_in_dim3A_170, %select_n3A_165 : vector<1024x128xi1>, vector<1024x128xi32>
    %slice3A_172 = vector.extract_strided_slice %dot_general3A_28 {offsets = [0, 3200], sizes = [1024, 128], strides = [1, 1]} : vector<1024x8192xf32> to vector<1024x128xf32>
    %gt3A_173 = arith.cmpf ogt, %slice3A_172, %max3A_168 : vector<1024x128xf32>
    %max3A_174 = arith.maximumf %max3A_168, %slice3A_172 : vector<1024x128xf32>
    %jit3A_175 = arith.constant 25 : i32
    %broadcast_in_dim3A_176 = vector.broadcast %jit3A_175 : i32 to vector<1024x128xi32>
    %select_n3A_177 = arith.select %gt3A_173, %broadcast_in_dim3A_176, %select_n3A_171 : vector<1024x128xi1>, vector<1024x128xi32>
    %slice3A_178 = vector.extract_strided_slice %dot_general3A_28 {offsets = [0, 3328], sizes = [1024, 128], strides = [1, 1]} : vector<1024x8192xf32> to vector<1024x128xf32>
    %gt3A_179 = arith.cmpf ogt, %slice3A_178, %max3A_174 : vector<1024x128xf32>
    %max3A_180 = arith.maximumf %max3A_174, %slice3A_178 : vector<1024x128xf32>
    %jit3A_181 = arith.constant 26 : i32
    %broadcast_in_dim3A_182 = vector.broadcast %jit3A_181 : i32 to vector<1024x128xi32>
    %select_n3A_183 = arith.select %gt3A_179, %broadcast_in_dim3A_182, %select_n3A_177 : vector<1024x128xi1>, vector<1024x128xi32>
    %slice3A_184 = vector.extract_strided_slice %dot_general3A_28 {offsets = [0, 3456], sizes = [1024, 128], strides = [1, 1]} : vector<1024x8192xf32> to vector<1024x128xf32>
    %gt3A_185 = arith.cmpf ogt, %slice3A_184, %max3A_180 : vector<1024x128xf32>
    %max3A_186 = arith.maximumf %max3A_180, %slice3A_184 : vector<1024x128xf32>
    %jit3A_187 = arith.constant 27 : i32
    %broadcast_in_dim3A_188 = vector.broadcast %jit3A_187 : i32 to vector<1024x128xi32>
    %select_n3A_189 = arith.select %gt3A_185, %broadcast_in_dim3A_188, %select_n3A_183 : vector<1024x128xi1>, vector<1024x128xi32>
    %slice3A_190 = vector.extract_strided_slice %dot_general3A_28 {offsets = [0, 3584], sizes = [1024, 128], strides = [1, 1]} : vector<1024x8192xf32> to vector<1024x128xf32>
    %gt3A_191 = arith.cmpf ogt, %slice3A_190, %max3A_186 : vector<1024x128xf32>
    %max3A_192 = arith.maximumf %max3A_186, %slice3A_190 : vector<1024x128xf32>
    %jit3A_193 = arith.constant 28 : i32
    %broadcast_in_dim3A_194 = vector.broadcast %jit3A_193 : i32 to vector<1024x128xi32>
    %select_n3A_195 = arith.select %gt3A_191, %broadcast_in_dim3A_194, %select_n3A_189 : vector<1024x128xi1>, vector<1024x128xi32>
    %slice3A_196 = vector.extract_strided_slice %dot_general3A_28 {offsets = [0, 3712], sizes = [1024, 128], strides = [1, 1]} : vector<1024x8192xf32> to vector<1024x128xf32>
    %gt3A_197 = arith.cmpf ogt, %slice3A_196, %max3A_192 : vector<1024x128xf32>
    %max3A_198 = arith.maximumf %max3A_192, %slice3A_196 : vector<1024x128xf32>
    %jit3A_199 = arith.constant 29 : i32
    %broadcast_in_dim3A_200 = vector.broadcast %jit3A_199 : i32 to vector<1024x128xi32>
    %select_n3A_201 = arith.select %gt3A_197, %broadcast_in_dim3A_200, %select_n3A_195 : vector<1024x128xi1>, vector<1024x128xi32>
    %slice3A_202 = vector.extract_strided_slice %dot_general3A_28 {offsets = [0, 3840], sizes = [1024, 128], strides = [1, 1]} : vector<1024x8192xf32> to vector<1024x128xf32>
    %gt3A_203 = arith.cmpf ogt, %slice3A_202, %max3A_198 : vector<1024x128xf32>
    %max3A_204 = arith.maximumf %max3A_198, %slice3A_202 : vector<1024x128xf32>
    %jit3A_205 = arith.constant 30 : i32
    %broadcast_in_dim3A_206 = vector.broadcast %jit3A_205 : i32 to vector<1024x128xi32>
    %select_n3A_207 = arith.select %gt3A_203, %broadcast_in_dim3A_206, %select_n3A_201 : vector<1024x128xi1>, vector<1024x128xi32>
    %slice3A_208 = vector.extract_strided_slice %dot_general3A_28 {offsets = [0, 3968], sizes = [1024, 128], strides = [1, 1]} : vector<1024x8192xf32> to vector<1024x128xf32>
    %gt3A_209 = arith.cmpf ogt, %slice3A_208, %max3A_204 : vector<1024x128xf32>
    %max3A_210 = arith.maximumf %max3A_204, %slice3A_208 : vector<1024x128xf32>
    %jit3A_211 = arith.constant 31 : i32
    %broadcast_in_dim3A_212 = vector.broadcast %jit3A_211 : i32 to vector<1024x128xi32>
    %select_n3A_213 = arith.select %gt3A_209, %broadcast_in_dim3A_212, %select_n3A_207 : vector<1024x128xi1>, vector<1024x128xi32>
    %slice3A_214 = vector.extract_strided_slice %dot_general3A_28 {offsets = [0, 4096], sizes = [1024, 128], strides = [1, 1]} : vector<1024x8192xf32> to vector<1024x128xf32>
    %gt3A_215 = arith.cmpf ogt, %slice3A_214, %max3A_210 : vector<1024x128xf32>
    %max3A_216 = arith.maximumf %max3A_210, %slice3A_214 : vector<1024x128xf32>
    %jit3A_217 = arith.constant 32 : i32
    %broadcast_in_dim3A_218 = vector.broadcast %jit3A_217 : i32 to vector<1024x128xi32>
    %select_n3A_219 = arith.select %gt3A_215, %broadcast_in_dim3A_218, %select_n3A_213 : vector<1024x128xi1>, vector<1024x128xi32>
    %slice3A_220 = vector.extract_strided_slice %dot_general3A_28 {offsets = [0, 4224], sizes = [1024, 128], strides = [1, 1]} : vector<1024x8192xf32> to vector<1024x128xf32>
    %gt3A_221 = arith.cmpf ogt, %slice3A_220, %max3A_216 : vector<1024x128xf32>
    %max3A_222 = arith.maximumf %max3A_216, %slice3A_220 : vector<1024x128xf32>
    %jit3A_223 = arith.constant 33 : i32
    %broadcast_in_dim3A_224 = vector.broadcast %jit3A_223 : i32 to vector<1024x128xi32>
    %select_n3A_225 = arith.select %gt3A_221, %broadcast_in_dim3A_224, %select_n3A_219 : vector<1024x128xi1>, vector<1024x128xi32>
    %slice3A_226 = vector.extract_strided_slice %dot_general3A_28 {offsets = [0, 4352], sizes = [1024, 128], strides = [1, 1]} : vector<1024x8192xf32> to vector<1024x128xf32>
    %gt3A_227 = arith.cmpf ogt, %slice3A_226, %max3A_222 : vector<1024x128xf32>
    %max3A_228 = arith.maximumf %max3A_222, %slice3A_226 : vector<1024x128xf32>
    %jit3A_229 = arith.constant 34 : i32
    %broadcast_in_dim3A_230 = vector.broadcast %jit3A_229 : i32 to vector<1024x128xi32>
    %select_n3A_231 = arith.select %gt3A_227, %broadcast_in_dim3A_230, %select_n3A_225 : vector<1024x128xi1>, vector<1024x128xi32>
    %slice3A_232 = vector.extract_strided_slice %dot_general3A_28 {offsets = [0, 4480], sizes = [1024, 128], strides = [1, 1]} : vector<1024x8192xf32> to vector<1024x128xf32>
    %gt3A_233 = arith.cmpf ogt, %slice3A_232, %max3A_228 : vector<1024x128xf32>
    %max3A_234 = arith.maximumf %max3A_228, %slice3A_232 : vector<1024x128xf32>
    %jit3A_235 = arith.constant 35 : i32
    %broadcast_in_dim3A_236 = vector.broadcast %jit3A_235 : i32 to vector<1024x128xi32>
    %select_n3A_237 = arith.select %gt3A_233, %broadcast_in_dim3A_236, %select_n3A_231 : vector<1024x128xi1>, vector<1024x128xi32>
    %slice3A_238 = vector.extract_strided_slice %dot_general3A_28 {offsets = [0, 4608], sizes = [1024, 128], strides = [1, 1]} : vector<1024x8192xf32> to vector<1024x128xf32>
    %gt3A_239 = arith.cmpf ogt, %slice3A_238, %max3A_234 : vector<1024x128xf32>
    %max3A_240 = arith.maximumf %max3A_234, %slice3A_238 : vector<1024x128xf32>
    %jit3A_241 = arith.constant 36 : i32
    %broadcast_in_dim3A_242 = vector.broadcast %jit3A_241 : i32 to vector<1024x128xi32>
    %select_n3A_243 = arith.select %gt3A_239, %broadcast_in_dim3A_242, %select_n3A_237 : vector<1024x128xi1>, vector<1024x128xi32>
    %slice3A_244 = vector.extract_strided_slice %dot_general3A_28 {offsets = [0, 4736], sizes = [1024, 128], strides = [1, 1]} : vector<1024x8192xf32> to vector<1024x128xf32>
    %gt3A_245 = arith.cmpf ogt, %slice3A_244, %max3A_240 : vector<1024x128xf32>
    %max3A_246 = arith.maximumf %max3A_240, %slice3A_244 : vector<1024x128xf32>
    %jit3A_247 = arith.constant 37 : i32
    %broadcast_in_dim3A_248 = vector.broadcast %jit3A_247 : i32 to vector<1024x128xi32>
    %select_n3A_249 = arith.select %gt3A_245, %broadcast_in_dim3A_248, %select_n3A_243 : vector<1024x128xi1>, vector<1024x128xi32>
    %slice3A_250 = vector.extract_strided_slice %dot_general3A_28 {offsets = [0, 4864], sizes = [1024, 128], strides = [1, 1]} : vector<1024x8192xf32> to vector<1024x128xf32>
    %gt3A_251 = arith.cmpf ogt, %slice3A_250, %max3A_246 : vector<1024x128xf32>
    %max3A_252 = arith.maximumf %max3A_246, %slice3A_250 : vector<1024x128xf32>
    %jit3A_253 = arith.constant 38 : i32
    %broadcast_in_dim3A_254 = vector.broadcast %jit3A_253 : i32 to vector<1024x128xi32>
    %select_n3A_255 = arith.select %gt3A_251, %broadcast_in_dim3A_254, %select_n3A_249 : vector<1024x128xi1>, vector<1024x128xi32>
    %slice3A_256 = vector.extract_strided_slice %dot_general3A_28 {offsets = [0, 4992], sizes = [1024, 128], strides = [1, 1]} : vector<1024x8192xf32> to vector<1024x128xf32>
    %gt3A_257 = arith.cmpf ogt, %slice3A_256, %max3A_252 : vector<1024x128xf32>
    %max3A_258 = arith.maximumf %max3A_252, %slice3A_256 : vector<1024x128xf32>
    %jit3A_259 = arith.constant 39 : i32
    %broadcast_in_dim3A_260 = vector.broadcast %jit3A_259 : i32 to vector<1024x128xi32>
    %select_n3A_261 = arith.select %gt3A_257, %broadcast_in_dim3A_260, %select_n3A_255 : vector<1024x128xi1>, vector<1024x128xi32>
    %slice3A_262 = vector.extract_strided_slice %dot_general3A_28 {offsets = [0, 5120], sizes = [1024, 128], strides = [1, 1]} : vector<1024x8192xf32> to vector<1024x128xf32>
    %gt3A_263 = arith.cmpf ogt, %slice3A_262, %max3A_258 : vector<1024x128xf32>
    %max3A_264 = arith.maximumf %max3A_258, %slice3A_262 : vector<1024x128xf32>
    %jit3A_265 = arith.constant 40 : i32
    %broadcast_in_dim3A_266 = vector.broadcast %jit3A_265 : i32 to vector<1024x128xi32>
    %select_n3A_267 = arith.select %gt3A_263, %broadcast_in_dim3A_266, %select_n3A_261 : vector<1024x128xi1>, vector<1024x128xi32>
    %slice3A_268 = vector.extract_strided_slice %dot_general3A_28 {offsets = [0, 5248], sizes = [1024, 128], strides = [1, 1]} : vector<1024x8192xf32> to vector<1024x128xf32>
    %gt3A_269 = arith.cmpf ogt, %slice3A_268, %max3A_264 : vector<1024x128xf32>
    %max3A_270 = arith.maximumf %max3A_264, %slice3A_268 : vector<1024x128xf32>
    %jit3A_271 = arith.constant 41 : i32
    %broadcast_in_dim3A_272 = vector.broadcast %jit3A_271 : i32 to vector<1024x128xi32>
    %select_n3A_273 = arith.select %gt3A_269, %broadcast_in_dim3A_272, %select_n3A_267 : vector<1024x128xi1>, vector<1024x128xi32>
    %slice3A_274 = vector.extract_strided_slice %dot_general3A_28 {offsets = [0, 5376], sizes = [1024, 128], strides = [1, 1]} : vector<1024x8192xf32> to vector<1024x128xf32>
    %gt3A_275 = arith.cmpf ogt, %slice3A_274, %max3A_270 : vector<1024x128xf32>
    %max3A_276 = arith.maximumf %max3A_270, %slice3A_274 : vector<1024x128xf32>
    %jit3A_277 = arith.constant 42 : i32
    %broadcast_in_dim3A_278 = vector.broadcast %jit3A_277 : i32 to vector<1024x128xi32>
    %select_n3A_279 = arith.select %gt3A_275, %broadcast_in_dim3A_278, %select_n3A_273 : vector<1024x128xi1>, vector<1024x128xi32>
    %slice3A_280 = vector.extract_strided_slice %dot_general3A_28 {offsets = [0, 5504], sizes = [1024, 128], strides = [1, 1]} : vector<1024x8192xf32> to vector<1024x128xf32>
    %gt3A_281 = arith.cmpf ogt, %slice3A_280, %max3A_276 : vector<1024x128xf32>
    %max3A_282 = arith.maximumf %max3A_276, %slice3A_280 : vector<1024x128xf32>
    %jit3A_283 = arith.constant 43 : i32
    %broadcast_in_dim3A_284 = vector.broadcast %jit3A_283 : i32 to vector<1024x128xi32>
    %select_n3A_285 = arith.select %gt3A_281, %broadcast_in_dim3A_284, %select_n3A_279 : vector<1024x128xi1>, vector<1024x128xi32>
    %slice3A_286 = vector.extract_strided_slice %dot_general3A_28 {offsets = [0, 5632], sizes = [1024, 128], strides = [1, 1]} : vector<1024x8192xf32> to vector<1024x128xf32>
    %gt3A_287 = arith.cmpf ogt, %slice3A_286, %max3A_282 : vector<1024x128xf32>
    %max3A_288 = arith.maximumf %max3A_282, %slice3A_286 : vector<1024x128xf32>
    %jit3A_289 = arith.constant 44 : i32
    %broadcast_in_dim3A_290 = vector.broadcast %jit3A_289 : i32 to vector<1024x128xi32>
    %select_n3A_291 = arith.select %gt3A_287, %broadcast_in_dim3A_290, %select_n3A_285 : vector<1024x128xi1>, vector<1024x128xi32>
    %slice3A_292 = vector.extract_strided_slice %dot_general3A_28 {offsets = [0, 5760], sizes = [1024, 128], strides = [1, 1]} : vector<1024x8192xf32> to vector<1024x128xf32>
    %gt3A_293 = arith.cmpf ogt, %slice3A_292, %max3A_288 : vector<1024x128xf32>
    %max3A_294 = arith.maximumf %max3A_288, %slice3A_292 : vector<1024x128xf32>
    %jit3A_295 = arith.constant 45 : i32
    %broadcast_in_dim3A_296 = vector.broadcast %jit3A_295 : i32 to vector<1024x128xi32>
    %select_n3A_297 = arith.select %gt3A_293, %broadcast_in_dim3A_296, %select_n3A_291 : vector<1024x128xi1>, vector<1024x128xi32>
    %slice3A_298 = vector.extract_strided_slice %dot_general3A_28 {offsets = [0, 5888], sizes = [1024, 128], strides = [1, 1]} : vector<1024x8192xf32> to vector<1024x128xf32>
    %gt3A_299 = arith.cmpf ogt, %slice3A_298, %max3A_294 : vector<1024x128xf32>
    %max3A_300 = arith.maximumf %max3A_294, %slice3A_298 : vector<1024x128xf32>
    %jit3A_301 = arith.constant 46 : i32
    %broadcast_in_dim3A_302 = vector.broadcast %jit3A_301 : i32 to vector<1024x128xi32>
    %select_n3A_303 = arith.select %gt3A_299, %broadcast_in_dim3A_302, %select_n3A_297 : vector<1024x128xi1>, vector<1024x128xi32>
    %slice3A_304 = vector.extract_strided_slice %dot_general3A_28 {offsets = [0, 6016], sizes = [1024, 128], strides = [1, 1]} : vector<1024x8192xf32> to vector<1024x128xf32>
    %gt3A_305 = arith.cmpf ogt, %slice3A_304, %max3A_300 : vector<1024x128xf32>
    %max3A_306 = arith.maximumf %max3A_300, %slice3A_304 : vector<1024x128xf32>
    %jit3A_307 = arith.constant 47 : i32
    %broadcast_in_dim3A_308 = vector.broadcast %jit3A_307 : i32 to vector<1024x128xi32>
    %select_n3A_309 = arith.select %gt3A_305, %broadcast_in_dim3A_308, %select_n3A_303 : vector<1024x128xi1>, vector<1024x128xi32>
    %slice3A_310 = vector.extract_strided_slice %dot_general3A_28 {offsets = [0, 6144], sizes = [1024, 128], strides = [1, 1]} : vector<1024x8192xf32> to vector<1024x128xf32>
    %gt3A_311 = arith.cmpf ogt, %slice3A_310, %max3A_306 : vector<1024x128xf32>
    %max3A_312 = arith.maximumf %max3A_306, %slice3A_310 : vector<1024x128xf32>
    %jit3A_313 = arith.constant 48 : i32
    %broadcast_in_dim3A_314 = vector.broadcast %jit3A_313 : i32 to vector<1024x128xi32>
    %select_n3A_315 = arith.select %gt3A_311, %broadcast_in_dim3A_314, %select_n3A_309 : vector<1024x128xi1>, vector<1024x128xi32>
    %slice3A_316 = vector.extract_strided_slice %dot_general3A_28 {offsets = [0, 6272], sizes = [1024, 128], strides = [1, 1]} : vector<1024x8192xf32> to vector<1024x128xf32>
    %gt3A_317 = arith.cmpf ogt, %slice3A_316, %max3A_312 : vector<1024x128xf32>
    %max3A_318 = arith.maximumf %max3A_312, %slice3A_316 : vector<1024x128xf32>
    %jit3A_319 = arith.constant 49 : i32
    %broadcast_in_dim3A_320 = vector.broadcast %jit3A_319 : i32 to vector<1024x128xi32>
    %select_n3A_321 = arith.select %gt3A_317, %broadcast_in_dim3A_320, %select_n3A_315 : vector<1024x128xi1>, vector<1024x128xi32>
    %slice3A_322 = vector.extract_strided_slice %dot_general3A_28 {offsets = [0, 6400], sizes = [1024, 128], strides = [1, 1]} : vector<1024x8192xf32> to vector<1024x128xf32>
    %gt3A_323 = arith.cmpf ogt, %slice3A_322, %max3A_318 : vector<1024x128xf32>
    %max3A_324 = arith.maximumf %max3A_318, %slice3A_322 : vector<1024x128xf32>
    %jit3A_325 = arith.constant 50 : i32
    %broadcast_in_dim3A_326 = vector.broadcast %jit3A_325 : i32 to vector<1024x128xi32>
    %select_n3A_327 = arith.select %gt3A_323, %broadcast_in_dim3A_326, %select_n3A_321 : vector<1024x128xi1>, vector<1024x128xi32>
    %slice3A_328 = vector.extract_strided_slice %dot_general3A_28 {offsets = [0, 6528], sizes = [1024, 128], strides = [1, 1]} : vector<1024x8192xf32> to vector<1024x128xf32>
    %gt3A_329 = arith.cmpf ogt, %slice3A_328, %max3A_324 : vector<1024x128xf32>
    %max3A_330 = arith.maximumf %max3A_324, %slice3A_328 : vector<1024x128xf32>
    %jit3A_331 = arith.constant 51 : i32
    %broadcast_in_dim3A_332 = vector.broadcast %jit3A_331 : i32 to vector<1024x128xi32>
    %select_n3A_333 = arith.select %gt3A_329, %broadcast_in_dim3A_332, %select_n3A_327 : vector<1024x128xi1>, vector<1024x128xi32>
    %slice3A_334 = vector.extract_strided_slice %dot_general3A_28 {offsets = [0, 6656], sizes = [1024, 128], strides = [1, 1]} : vector<1024x8192xf32> to vector<1024x128xf32>
    %gt3A_335 = arith.cmpf ogt, %slice3A_334, %max3A_330 : vector<1024x128xf32>
    %max3A_336 = arith.maximumf %max3A_330, %slice3A_334 : vector<1024x128xf32>
    %jit3A_337 = arith.constant 52 : i32
    %broadcast_in_dim3A_338 = vector.broadcast %jit3A_337 : i32 to vector<1024x128xi32>
    %select_n3A_339 = arith.select %gt3A_335, %broadcast_in_dim3A_338, %select_n3A_333 : vector<1024x128xi1>, vector<1024x128xi32>
    %slice3A_340 = vector.extract_strided_slice %dot_general3A_28 {offsets = [0, 6784], sizes = [1024, 128], strides = [1, 1]} : vector<1024x8192xf32> to vector<1024x128xf32>
    %gt3A_341 = arith.cmpf ogt, %slice3A_340, %max3A_336 : vector<1024x128xf32>
    %max3A_342 = arith.maximumf %max3A_336, %slice3A_340 : vector<1024x128xf32>
    %jit3A_343 = arith.constant 53 : i32
    %broadcast_in_dim3A_344 = vector.broadcast %jit3A_343 : i32 to vector<1024x128xi32>
    %select_n3A_345 = arith.select %gt3A_341, %broadcast_in_dim3A_344, %select_n3A_339 : vector<1024x128xi1>, vector<1024x128xi32>
    %slice3A_346 = vector.extract_strided_slice %dot_general3A_28 {offsets = [0, 6912], sizes = [1024, 128], strides = [1, 1]} : vector<1024x8192xf32> to vector<1024x128xf32>
    %gt3A_347 = arith.cmpf ogt, %slice3A_346, %max3A_342 : vector<1024x128xf32>
    %max3A_348 = arith.maximumf %max3A_342, %slice3A_346 : vector<1024x128xf32>
    %jit3A_349 = arith.constant 54 : i32
    %broadcast_in_dim3A_350 = vector.broadcast %jit3A_349 : i32 to vector<1024x128xi32>
    %select_n3A_351 = arith.select %gt3A_347, %broadcast_in_dim3A_350, %select_n3A_345 : vector<1024x128xi1>, vector<1024x128xi32>
    %slice3A_352 = vector.extract_strided_slice %dot_general3A_28 {offsets = [0, 7040], sizes = [1024, 128], strides = [1, 1]} : vector<1024x8192xf32> to vector<1024x128xf32>
    %gt3A_353 = arith.cmpf ogt, %slice3A_352, %max3A_348 : vector<1024x128xf32>
    %max3A_354 = arith.maximumf %max3A_348, %slice3A_352 : vector<1024x128xf32>
    %jit3A_355 = arith.constant 55 : i32
    %broadcast_in_dim3A_356 = vector.broadcast %jit3A_355 : i32 to vector<1024x128xi32>
    %select_n3A_357 = arith.select %gt3A_353, %broadcast_in_dim3A_356, %select_n3A_351 : vector<1024x128xi1>, vector<1024x128xi32>
    %slice3A_358 = vector.extract_strided_slice %dot_general3A_28 {offsets = [0, 7168], sizes = [1024, 128], strides = [1, 1]} : vector<1024x8192xf32> to vector<1024x128xf32>
    %gt3A_359 = arith.cmpf ogt, %slice3A_358, %max3A_354 : vector<1024x128xf32>
    %max3A_360 = arith.maximumf %max3A_354, %slice3A_358 : vector<1024x128xf32>
    %jit3A_361 = arith.constant 56 : i32
    %broadcast_in_dim3A_362 = vector.broadcast %jit3A_361 : i32 to vector<1024x128xi32>
    %select_n3A_363 = arith.select %gt3A_359, %broadcast_in_dim3A_362, %select_n3A_357 : vector<1024x128xi1>, vector<1024x128xi32>
    %slice3A_364 = vector.extract_strided_slice %dot_general3A_28 {offsets = [0, 7296], sizes = [1024, 128], strides = [1, 1]} : vector<1024x8192xf32> to vector<1024x128xf32>
    %gt3A_365 = arith.cmpf ogt, %slice3A_364, %max3A_360 : vector<1024x128xf32>
    %max3A_366 = arith.maximumf %max3A_360, %slice3A_364 : vector<1024x128xf32>
    %jit3A_367 = arith.constant 57 : i32
    %broadcast_in_dim3A_368 = vector.broadcast %jit3A_367 : i32 to vector<1024x128xi32>
    %select_n3A_369 = arith.select %gt3A_365, %broadcast_in_dim3A_368, %select_n3A_363 : vector<1024x128xi1>, vector<1024x128xi32>
    %slice3A_370 = vector.extract_strided_slice %dot_general3A_28 {offsets = [0, 7424], sizes = [1024, 128], strides = [1, 1]} : vector<1024x8192xf32> to vector<1024x128xf32>
    %gt3A_371 = arith.cmpf ogt, %slice3A_370, %max3A_366 : vector<1024x128xf32>
    %max3A_372 = arith.maximumf %max3A_366, %slice3A_370 : vector<1024x128xf32>
    %jit3A_373 = arith.constant 58 : i32
    %broadcast_in_dim3A_374 = vector.broadcast %jit3A_373 : i32 to vector<1024x128xi32>
    %select_n3A_375 = arith.select %gt3A_371, %broadcast_in_dim3A_374, %select_n3A_369 : vector<1024x128xi1>, vector<1024x128xi32>
    %slice3A_376 = vector.extract_strided_slice %dot_general3A_28 {offsets = [0, 7552], sizes = [1024, 128], strides = [1, 1]} : vector<1024x8192xf32> to vector<1024x128xf32>
    %gt3A_377 = arith.cmpf ogt, %slice3A_376, %max3A_372 : vector<1024x128xf32>
    %max3A_378 = arith.maximumf %max3A_372, %slice3A_376 : vector<1024x128xf32>
    %jit3A_379 = arith.constant 59 : i32
    %broadcast_in_dim3A_380 = vector.broadcast %jit3A_379 : i32 to vector<1024x128xi32>
    %select_n3A_381 = arith.select %gt3A_377, %broadcast_in_dim3A_380, %select_n3A_375 : vector<1024x128xi1>, vector<1024x128xi32>
    %slice3A_382 = vector.extract_strided_slice %dot_general3A_28 {offsets = [0, 7680], sizes = [1024, 128], strides = [1, 1]} : vector<1024x8192xf32> to vector<1024x128xf32>
    %gt3A_383 = arith.cmpf ogt, %slice3A_382, %max3A_378 : vector<1024x128xf32>
    %max3A_384 = arith.maximumf %max3A_378, %slice3A_382 : vector<1024x128xf32>
    %jit3A_385 = arith.constant 60 : i32
    %broadcast_in_dim3A_386 = vector.broadcast %jit3A_385 : i32 to vector<1024x128xi32>
    %select_n3A_387 = arith.select %gt3A_383, %broadcast_in_dim3A_386, %select_n3A_381 : vector<1024x128xi1>, vector<1024x128xi32>
    %slice3A_388 = vector.extract_strided_slice %dot_general3A_28 {offsets = [0, 7808], sizes = [1024, 128], strides = [1, 1]} : vector<1024x8192xf32> to vector<1024x128xf32>
    %gt3A_389 = arith.cmpf ogt, %slice3A_388, %max3A_384 : vector<1024x128xf32>
    %max3A_390 = arith.maximumf %max3A_384, %slice3A_388 : vector<1024x128xf32>
    %jit3A_391 = arith.constant 61 : i32
    %broadcast_in_dim3A_392 = vector.broadcast %jit3A_391 : i32 to vector<1024x128xi32>
    %select_n3A_393 = arith.select %gt3A_389, %broadcast_in_dim3A_392, %select_n3A_387 : vector<1024x128xi1>, vector<1024x128xi32>
    %slice3A_394 = vector.extract_strided_slice %dot_general3A_28 {offsets = [0, 7936], sizes = [1024, 128], strides = [1, 1]} : vector<1024x8192xf32> to vector<1024x128xf32>
    %gt3A_395 = arith.cmpf ogt, %slice3A_394, %max3A_390 : vector<1024x128xf32>
    %max3A_396 = arith.maximumf %max3A_390, %slice3A_394 : vector<1024x128xf32>
    %jit3A_397 = arith.constant 62 : i32
    %broadcast_in_dim3A_398 = vector.broadcast %jit3A_397 : i32 to vector<1024x128xi32>
    %select_n3A_399 = arith.select %gt3A_395, %broadcast_in_dim3A_398, %select_n3A_393 : vector<1024x128xi1>, vector<1024x128xi32>
    %slice3A_400 = vector.extract_strided_slice %dot_general3A_28 {offsets = [0, 8064], sizes = [1024, 128], strides = [1, 1]} : vector<1024x8192xf32> to vector<1024x128xf32>
    %gt3A_401 = arith.cmpf ogt, %slice3A_400, %max3A_396 : vector<1024x128xf32>
    %max3A_402 = arith.maximumf %max3A_396, %slice3A_400 : vector<1024x128xf32>
    %jit3A_403 = arith.constant 63 : i32
    %broadcast_in_dim3A_404 = vector.broadcast %jit3A_403 : i32 to vector<1024x128xi32>
    %select_n3A_405 = arith.select %gt3A_401, %broadcast_in_dim3A_404, %select_n3A_399 : vector<1024x128xi1>, vector<1024x128xi32>
    %mul3A_406 = arith.constant 128 : i32
    %mul3A_407 = vector.broadcast %mul3A_406 : i32 to vector<1024x128xi32>
    %mul3A_408 = arith.muli %select_n3A_405, %mul3A_407 : vector<1024x128xi32>
    %iota3A = tpu.iota {dimensions = array<i32: 1>} : vector<1024x128xi32>
    %add3A_409 = arith.addi %mul3A_408, %iota3A : vector<1024x128xi32>
    %reduce_max3A = arith.constant dense<0xFF800000> : vector<1024xf32>
    %reduce_max3A_410 = vector.multi_reduction <maximumf>, %max3A_402, %reduce_max3A [1] : vector<1024x128xf32> to vector<1024xf32>
    %broadcast_in_dim3A_411 = vector.shape_cast %reduce_max3A_410 : vector<1024xf32> to vector<1024x1xf32>
    %eq3A_412 = vector.broadcast %broadcast_in_dim3A_411 : vector<1024x1xf32> to vector<1024x128xf32>
    %eq3A_413 = arith.cmpf oeq, %max3A_402, %eq3A_412 : vector<1024x128xf32>
    %jit3A_414 = arith.constant 8192 : i32
    %broadcast_in_dim3A_415 = vector.broadcast %jit3A_414 : i32 to vector<1024x128xi32>
    %select_n3A_416 = arith.select %eq3A_413, %add3A_409, %broadcast_in_dim3A_415 : vector<1024x128xi1>, vector<1024x128xi32>
    %reduce_min3A = arith.constant dense<2147483647> : vector<1024xi32>
    %reduce_min3A_417 = vector.multi_reduction <minsi>, %select_n3A_416, %reduce_min3A [1] : vector<1024x128xi32> to vector<1024xi32>
    %reshape3A = vector.shape_cast %reduce_min3A_417 : vector<1024xi32> to vector<8x128xi32>
    %swap3A = arith.constant 0 : index
    %swap3A_418 = arith.constant 0 : index
    %swap3A_419 = arith.constant 0 : index
    %swap3A_420 = vector.load %arg5[%swap3A, %swap3A_418, %swap3A_419] : memref<1x8x128xi32, #tpu.memory_space<vmem>>, vector<1x8x128xi32>
    %swap3A_421 = vector.shape_cast %swap3A_420 : vector<1x8x128xi32> to vector<8x128xi32>
    %swap3A_422 = vector.shape_cast %reshape3A : vector<8x128xi32> to vector<1x8x128xi32>
    tpu.vector_store %arg5[%swap3A, %swap3A_418, %swap3A_419], %swap3A_422 {strides = array<i32>} : memref<1x8x128xi32, #tpu.memory_space<vmem>>, vector<1x8x128xi32>,
    return
  }
  func.func @transform_0(%arg0: i32) -> (i32, i32) {
    %c0_i32 = arith.constant 0 : i32
    %c0_i32_0 = arith.constant 0 : i32
    return %arg0, %c0_i32 : i32, i32
  }
  func.func @transform_1(%arg0: i32) -> (i32, i32) {
    %c0_i32 = arith.constant 0 : i32
    %c0_i32_0 = arith.constant 0 : i32
    %c0_i32_1 = arith.constant 0 : i32
    return %c0_i32, %c0_i32_0 : i32, i32
  }
  func.func @transform_2(%arg0: i32) -> (i32, i32) {
    %c0_i32 = arith.constant 0 : i32
    %c0_i32_0 = arith.constant 0 : i32
    %c0_i32_1 = arith.constant 0 : i32
    return %c0_i32, %c0_i32_0 : i32, i32
  }
  func.func @transform_3(%arg0: i32) -> (i32, i32) {
    %c0_i32 = arith.constant 0 : i32
    %c0_i32_0 = arith.constant 0 : i32
    %c0_i32_1 = arith.constant 0 : i32
    return %c0_i32, %c0_i32_0 : i32, i32
  }
  func.func @transform_4(%arg0: i32) -> (i32, i32, i32) {
    %c0_i32 = arith.constant 0 : i32
    %c0_i32_0 = arith.constant 0 : i32
    %c0_i32_1 = arith.constant 0 : i32
    return %arg0, %c0_i32, %c0_i32_0 : i32, i32, i32
  }
  func.func @transform_5(%arg0: i32) -> (i32, i32) {
    %c0_i32 = arith.constant 0 : i32
    %c0_i32_0 = arith.constant 0 : i32
    %c0_i32_1 = arith.constant 0 : i32
    return %c0_i32, %c0_i32_0 : i32, i32
  }
}

</mosaic_0001>

<sc_bundles>
// kernel: kernel.4.cloned.1.call-start
scs
__scs_entry_jumppad:
0x0: {  	(pc) =	sbr.rel $0x88, $3  }
0x1: {  	(tag) =	ssettag $0x0;
	lr =	simm.s32 $0x1  }
0x2: {  	[smem:$0x3F9D] =	sst lr;
	_ =	strace $0xD0000000  }
0x3: {  	_ = 	snop  }
0x4: {  	_ = 	snop  }
0x5: {  	_ = 	snop  }
0x6: {  	_ = 	snop  }
0x7: {  	_ = 	snop  }
__scs_overlays_trampoline_lowered:
0x8: {  	[smem:$0x3FAC] =	sst s0  }
0x9: {  	[smem:$0x3FAD] =	sst s1  }
0xa: {  	[smem:$0x3FAE] =	sst s2  }
0xb: {  	[smem:$0x3FAF] =	sst s3  }
0xc: {  	[smem:$0x3FB0] =	sst s4  }
0xd: {  	[smem:$0x3FB1] =	sst s5  }
0xe: {  	[smem:$0x3FB2] =	sst s6  }
0xf: {  	[smem:$0x3FB3] =	sst s7  }
0x10: {  	[smem:$0x3FB4] =	sst s8  }
0x11: {  	[smem:$0x3FB5] =	sst s9;
	s0 =	simm.s32 @!p0 $0x0  }
0x12: {  	s1 =	sld [smem:$0x3F9B];
	s0 =	simm.s32 @p0 $0x1  }
0x13: {  	[smem:$0x3FB6] =	sst s0;
	s0 =	simm.s32 @!p1 $0x0  }
0x14: {  	s2 =	sld [smem:$0x3F9A];
	s0 =	simm.s32 @p1 $0x1  }
0x15: {  	[smem:$0x3FB7] =	sst s0;
	s0 =	simm.s32 @!p2 $0x0  }
0x16: {  	s3 =	sld [smem:$0x3FDB];
	s0 =	simm.s32 @p2 $0x1  }
0x17: {  	s4 =	simm.s32 $0x1BF5;
	[smem:$0x3FB9] =	sst s0  }
0x18: {  	s0 =	sld [smem:$0x3F9C];
	_ =	swait.ge [sflag:s4], $0x0  }
0x19: {  	s7 =	sld [smem:$0x3F9D]  }
0x1a: {  	s8 =	sadd.s32 $0xFFFFE003, lr  }
0x1b: {  	s9 =	sadd.s32 $0xFFFFFEF7, lr;
	s5 =	simm.s32 $0xFFFFFFFF;
	p2 =	slt.u32 s8, $0xFFFFF086  }
0x1c: {  	p1 =	slt.u32 s9, $0xF7A;
	s5 =	simm.s32 @!p2 $0x0  }
0x1d: {  	s5 =	simm.s32 @p1 $0x1;
	p0 =	seq.s32 s7, s2  }
0x1e: {  	s7 =	smul.u32 @!p0 $0xF7A, s2;
	p2 =	seq.s32 @!p0 s5, $0x0  }
0x1f: {  	s9 =	smul.u32 $0xF7A, s1;
	s8 =	simm.s32 @!p0 $0x1BF5;
	p2 =	por !p2, p0  }
0x20: {  	[sflag:s8] =	ssyncset.s32 @!p0 $0xFFFFF086;
	s6 =	sadd.s32 @!p0 s3, s7;
	s7 =	simm.s32 @!p0 $0x108  }
0x21: {  	s3 =	sadd.s32 s3, s9;
	s6 =	sadd.s32 @!p0 $0x88, s6;
	s7 =	simm.s32 @p2 $0x1082  }
0x22: {  	[simem:s7], [sflag:s8] =	dma.local @!p0 [hbm:s6], $0xF7A  }
0x23: {  	s9 =	sor.u32 $0xD0000000, s2;
	s6 =	simm.s32 $0x108;
	_ =	swait.ge @!p0 [sflag:s8], $0x0  }
0x24: {  	s3 =	sadd.s32 $0x88, s3;
	s6 =	simm.s32 @!p1 $0x1082;
	[sflag:s4] =	ssyncset.s32 $0xFFFFF086  }
0x25: {  	[simem:s6], [sflag:s4] =	dma.local [hbm:s3], $0xF7A  }
0x26: {  	[smem:$0x3F9D] =	sst s1;
	(tag) =	ssettag s2;
	_ =	strace s9  }
0x27: {  	s1 =	sld [smem:$0x3FAD]  }
0x28: {  	s2 =	sld [smem:$0x3FAE]  }
0x29: {  	s4 =	sld [smem:$0x3FB0]  }
0x2a: {  	p0 =	seq.s32 s5, $0x0;
	s5 =	sld [smem:$0x3FB1]  }
0x2b: {  	s6 =	sld [smem:$0x3FB2]  }
0x2c: {  	s7 =	sld [smem:$0x3FB3]  }
0x2d: {  	s3 =	simm.s32 $0x108;
	s8 =	sld [smem:$0x3FB4]  }
0x2e: {  	s3 =	simm.s32 @!p0 $0x1082;
	s9 =	sld [smem:$0x3FB5]  }
0x2f: {  	lr =	sadd.s32 s0, s3;
	s0 =	sld [smem:$0x3FAC]  }
0x30: {  	s3 =	sld [smem:$0x3FAF]  }
0x31: {  	[smem:$0x3FB8] =	sst s10  }
0x32: {  	s10 =	sld [smem:$0x3FB6];
	_ =	sdelay $0x3  }
0x33: {  	p0 =	seq.s32 s10, $0x1;
	s10 =	sld [smem:$0x3FB8];
	_ =	sdelay $0x3  }
0x34: {  	[smem:$0x3FB8] =	sst s10  }
0x35: {  	s10 =	sld [smem:$0x3FB7];
	_ =	sdelay $0x3  }
0x36: {  	p1 =	seq.s32 s10, $0x1;
	s10 =	sld [smem:$0x3FB8];
	_ =	sdelay $0x3  }
0x37: {  	[smem:$0x3FB8] =	sst s10  }
0x38: {  	s10 =	sld [smem:$0x3FB9]  }
0x39: {  	_ = 	snop;
	(pc) =	sbr.ind lr, $3  }
0x3a: {  	_ = 	snop  }
0x3b: {  	_ = 	snop  }
0x3c: {  	p2 =	seq.s32 s10, $0x1;
	s10 =	sld [smem:$0x3FB8]  }
0x3d: {  	_ =	shalt  }
0x3e: {  	_ =	shalt  }
0x3f: {  	_ =	shalt  }
0x40: {  	_ =	shalt  }
0x41: {  	_ =	shalt  }
0x42: {  	_ =	shalt  }
0x43: {  	_ =	shalt  }
0x44: {  	_ =	shalt  }
0x45: {  	_ =	shalt  }
0x46: {  	_ =	shalt  }
0x47: {  	_ =	shalt  }
0x48: {  	_ =	shalt  }
0x49: {  	_ =	shalt  }
0x4a: {  	_ =	shalt  }
0x4b: {  	_ =	shalt  }
0x4c: {  	_ =	shalt  }
0x4d: {  	_ =	shalt  }
0x4e: {  	_ =	shalt  }
0x4f: {  	_ =	shalt  }
0x50: {  	_ =	shalt  }
0x51: {  	_ =	shalt  }
0x52: {  	_ =	shalt  }
0x53: {  	_ =	shalt  }
0x54: {  	_ =	shalt  }
0x55: {  	_ =	shalt  }
0x56: {  	_ =	shalt  }
0x57: {  	_ =	shalt  }
0x58: {  	_ =	shalt  }
0x59: {  	_ =	shalt  }
0x5a: {  	_ =	shalt  }
0x5b: {  	_ =	shalt  }
0x5c: {  	_ =	shalt  }
0x5d: {  	_ =	shalt  }
0x5e: {  	_ =	shalt  }
0x5f: {  	_ =	shalt  }
0x60: {  	_ =	shalt  }
0x61: {  	_ =	shalt  }
0x62: {  	_ =	shalt  }
0x63: {  	_ =	shalt  }
0x64: {  	_ =	shalt  }
0x65: {  	_ =	shalt  }
0x66: {  	_ =	shalt  }
0x67: {  	_ =	shalt  }
0x68: {  	_ =	shalt  }
0x69: {  	_ =	shalt  }
0x6a: {  	_ =	shalt  }
0x6b: {  	_ =	shalt  }
0x6c: {  	_ =	shalt  }
0x6d: {  	_ =	shalt  }
0x6e: {  	_ =	shalt  }
0x6f: {  	_ =	shalt  }
0x70: {  	_ =	shalt  }
0x71: {  	_ =	shalt  }
0x72: {  	_ =	shalt  }
0x73: {  	_ =	shalt  }
0x74: {  	_ =	shalt  }
0x75: {  	_ =	shalt  }
0x76: {  	_ =	shalt  }
0x77: {  	_ =	shalt  }
0x78: {  	_ =	shalt  }
0x79: {  	_ =	shalt  }
0x7a: {  	_ =	shalt  }
0x7b: {  	_ =	shalt  }
0x7c: {  	_ =	shalt  }
0x7d: {  	_ =	shalt  }
0x7e: {  	_ =	shalt  }
0x7f: {  	_ =	shalt  }
0x80: {  	_ =	shalt  }
0x81: {  	_ =	shalt  }
0x82: {  	_ =	shalt  }
0x83: {  	_ =	shalt  }
0x84: {  	_ =	shalt  }
0x85: {  	_ =	shalt  }
0x86: {  	_ =	shalt  }
0x87: {  	_ =	shalt  }
.Lfunc_end0:
.L_simem_size_0:
called_computation_lowered:
.L_overlay_start_0:
0x88: {  	s2 =	sld [smem:$0x3FD9]  }
0x89: {  	s3 =	sld [smem:$0x3FFE];
	_ =	sdelay $0x1  }
0x8a: {  	s1 =	srdreg.scid  }
0x8b: {  	s0 =	sand.u32 $0x1, s1  }
0x8c: {  	s17 =	sshll.u32 s0, $0xA;
	s2 =	sadd.s32 s3, s2  }
0x8d: {  	s2 =	sadd.s32 s2, s17  }
0x8e: {  	[smem:$0x3FC4] =	sst s2  }
0x8f: {  	_ = 	snop  }
0x90: {  	s2 =	sld [smem:$0x3FD0];
	(tm) =	ssettm $0x1  }
0x91: {  	s18 =	sld [smem:$0x3FFB];
	_ =	sdelay $0x3  }
0x92: {  	_ =	strace s18  }
0x93: {  	s3 =	sld [smem:$0x3FFC];
	_ =	sdelay $0x3  }
0x94: {  	_ =	strace s3  }
0x95: {  	s3 =	sld [smem:$0x3FFD];
	_ =	sdelay $0x3  }
0x96: {  	_ =	strace s3  }
0x97: {  	_ =	strace $0x8FFFFFFF  }
0x98: {  	s19 =	sld [smem:$0x3FDB];
	_ =	sdelay $0x1  }
0x99: {  	s4 =	simm.s32 $_scs_section_size  }
0x9a: {  	s5 =	simm.s32 $_size__tile_overlayer_lowered;
	s6 =	simm.s32 $_tile_overlayer_lowered  }
0x9b: {  	s22 =	simm.s32 $0x1BFF;
	s21 =	sshll.u32 s6, $0x1;
	s3 =	sadd.s32 s4, s19  }
0x9c: {  	s7 =	simm.s32 $0x0;
	s20 =	sshll.u32 s5, $0x1;
	s5 =	sadd.s32 s21, s3  }
0x9d: {  	[timem:s7], [sflag:s22] =	dma.local [hbm:s5], s20  }
0x9e: {  	_ =	swait.ge [sflag:s22], s20  }
0x9f: {  	s4 =	ssub.s32 $0x0, s20;
	[sflag:s22] =	ssyncset.done $0x0  }
0xa0: {  	[sflag:s22] =	ssyncadd.s32 s4;
	_ =	sdelay $0x1  }
0xa1: {  	s23 =	simm.s32 $0x1B8B  }
0xa2: {  	_ =	swait.ge [sflag:s23], $0x1  }
0xa3: {  	[sflag:s23] =	ssyncset.done $0x0  }
0xa4: {  	s25 =	simm.s32 $0x1B8E;
	s24 =	sld [smem:$0x3FFE];
	[sflag:s23] =	ssyncadd.s32 $0xFFFFFFFF  }
0xa5: {  	s26 =	simm.s32 $execute0_lowered;
	[smem:$0x3FD2] =	sst s25  }
0xa6: {  	s5 =	sshll.u32 s26, $0x1;
	_ =	strace $0x80000046;
	[dreg:$0x1] =	wrdreg $0xFFFFFFFF  }
0xa7: {  	s28 =	simm.s32 $_size_execute0_lowered;
	s3 =	sadd.s32 s3, s5;
	[dreg:$0x0] =	wrdreg $0x0  }
0xa8: {  	s5 =	sshll.u32 s28, $0x1;
	[dreg:$0x2] =	wrdreg s3  }
0xa9: {  	[dreg:$0x3] =	wrdreg s5  }
0xaa: {  	[dreg:$0x4] =	wrdreg $0xC0  }
0xab: {  	_ =	task [dreg:s7], $0x5FFFF  }
0xac: {  	[dreg:$0x1] =	wrdreg $0xFFFFFFFF  }
0xad: {  	[dreg:$0x0] =	wrdreg $0x60  }
0xae: {  	[dreg:$0x2] =	wrdreg s2  }
0xaf: {  	[dreg:$0x3] =	wrdreg s24  }
0xb0: {  	[dreg:$0x4] =	wrdreg $0x9  }
0xb1: {  	_ =	task.clear_ibuf [dreg:s7], $0x5FFFF;
	_ =	strace $0x90000046  }
0xb2: {  	s29 =	simm.s32 $0x9;
	_ =	strace $0x80000048  }
0xb3: {  	_ =	swait.ge [sflag:s29], $0x1  }
0xb4: {  	[sflag:s29] =	ssyncadd.s32 $0xFFFFFFFF  }
0xb5: {  	_ =	strace $0x90000048  }
0xb6: {  	_ =	sfence  }
0xb7: {  	s30 =	sld [smem:$0x0];
	_ =	sdelay $0x2  }
0xb8: {  	s31 =	sshll.u32 s1, $0xD;
	s1 =	sshrl.u32 s1, $0x2  }
0xb9: {  	s3 =	sand.u32 $0x4000, s31;
	s1 =	sadd.s32 s1, s30  }
0xba: {  	s0 =	sor.u32 s3, s0;
	s1 =	sshll.u32 s1, $0x11  }
0xbb: {  	s0 =	sor.u32 s1, s0  }
0xbc: {  	s0 =	sadd.s32 $0x8F2B, s0  }
0xbd: {  	[sflag:s0] =	ssyncadd.remote.s32 $0x1  }
0xbe: {  	_ =	sfence.sel $0xFFFF  }
0xbf: {  	[dreg:$0x0] =	wrdreg $0xFFFFFFFF;
	(pc) =	sbr.abs _section_cstart, $3  }
0xc0: {  	[dreg:$0x1] =	wrdreg $0xFFFFFFFF  }
0xc1: {  	_ =	task.clear_ibuf [dreg:s7], $0x2FFFF;
	_ =	strace $0x9FFFFFFF  }
0xc2: {  	(tm) =	ssettm $0x7FFFFFFF  }
0xc3: {  	_ =	shalt  }
tec
execute0_lowered:
.L_overlay_start_1:
0x0: {  	(tag) =	ssettag $0x1  }
0x1: {  	s1 =	srdreg.scid  }
0x2: {  	s0 =	stileid.u32;
	s17 =	sand.u32 $0x1, s1  }
0x3: {  	s2 =	rddreg [dreg:$0x0];
	s29 =	sshll.u32 s0, $0xA;
	s3 =	sshll.u32 s17, $0x9  }
0x4: {  	s18 =	rddreg [dreg:$0x1];
	s19 =	sor.u32 s3, s29  }
0x5: {  	s1 =	rddreg [dreg:$0x2];
	s3 =	simm.s32 $0x0;
	s4 =	sshrl.u32 s19, $0x3  }
0x6: {  	[smem:$0x7FF] =	sst s3;
	s10 =	sadd.s32 s4, s18  }
0x7: {  	_ =	strace $0x80000047;
	s4 =	simm.s32 $0x2;
	s5 =	sadd.s32 $0xE00, s10  }
0x8: {  	[tilespmem:s3], [sflag:$0x2] =	stream.linear.gather [hbm4b:s5+s3], $0x80, $0x38;
	[tilespmem:$0x10200] =	vst v63  }
0x9: {  	_ =	swait.ge [sflag:s4], $0x80  }
0xa: {  	[sflag:s4] =	ssyncset.done $0x0  }
0xb: {  	s7 =	simm.s32 $0x80;
	s6 =	sadd.s32 $0xE10, s10;
	[sflag:s4] =	ssyncadd.s32 $0xFFFFFF80  }
0xc: {  	[tilespmem:s7], [sflag:$0x2] =	stream.linear.gather [hbm4b:s6+s3], $0x80, $0x38;
	[tilespmem:$0x10200] =	vst v63  }
0xd: {  	_ =	swait.ge [sflag:s4], $0x80  }
0xe: {  	[sflag:s4] =	ssyncset.done $0x0  }
0xf: {  	s9 =	simm.s32 $0x100;
	s8 =	sadd.s32 $0xE20, s10;
	[sflag:s4] =	ssyncadd.s32 $0xFFFFFF80  }
0x10: {  	[tilespmem:s9], [sflag:$0x2] =	stream.linear.gather [hbm4b:s8+s3], $0x80, $0x38;
	[tilespmem:$0x10200] =	vst v63  }
0x11: {  	_ =	swait.ge [sflag:s4], $0x80  }
0x12: {  	[sflag:s4] =	ssyncset.done $0x0  }
0x13: {  	s11 =	simm.s32 $0x180;
	s10 =	sadd.s32 $0xE30, s10;
	[sflag:s4] =	ssyncadd.s32 $0xFFFFFF80  }
0x14: {  	[tilespmem:s11], [sflag:$0x2] =	stream.linear.gather [hbm4b:s10+s3], $0x80, $0x38;
	[tilespmem:$0x10200] =	vst v63  }
0x15: {  	_ =	swait.ge [sflag:s4], $0x80  }
0x16: {  	[sflag:s4] =	ssyncset.done $0x0  }
0x17: {  	s12 =	simm.s32 $0x200;
	[sflag:s4] =	ssyncadd.s32 $0xFFFFFF80  }
0x18: {  	[tilespmem:s12], [sflag:$0x1] =	stream.indirect.gather [hbm4b:s2+s7], $0x80, s3, s7, $0xb8;
	[tilespmem:$0x10200] =	vst v63  }
0x19: {  	s13 =	simm.s32 $0x4200  }
0x1a: {  	[tilespmem:s13], [sflag:$0x1] =	stream.indirect.gather [hbm4b:s2+s7], $0x80, s7, s7, $0xb8;
	[tilespmem:$0x10200] =	vst v63  }
0x1b: {  	s14 =	simm.s32 $0x8200  }
0x1c: {  	[tilespmem:s14], [sflag:$0x1] =	stream.indirect.gather [hbm4b:s2+s7], $0x80, s9, s7, $0xb8;
	[tilespmem:$0x10200] =	vst v63  }
0x1d: {  	s15 =	simm.s32 $0xC200;
	s16 =	simm.s32 $0x1  }
0x1e: {  	[tilespmem:s15], [sflag:$0x1] =	stream.indirect.gather [hbm4b:s2+s7], $0x80, s11, s7, $0xb8;
	[tilespmem:$0x10200] =	vst v63  }
0x1f: {  	_ =	swait.ge [sflag:s16], $0x4000  }
0x20: {  	[sflag:s16] =	ssyncset.done $0x0  }
0x21: {  	[sflag:s16] =	ssyncadd.s32 $0xFFFFC000  }
0x22: {  	_ =	swait.ge [sflag:s16], $0x4000  }
0x23: {  	[sflag:s16] =	ssyncset.done $0x0  }
0x24: {  	s17 =	ssub.s32 $0x2, s17;
	[sflag:s16] =	ssyncadd.s32 $0xFFFFC000  }
0x25: {  	s20 =	sshrl.u32 s17, $0x1;
	_ =	swait.ge [sflag:s16], $0x4000  }
0x26: {  	s30 =	ssub.s32 s17, s20;
	[sflag:s16] =	ssyncset.done $0x0  }
0x27: {  	s31 =	smax.u32 s30, $0x1;
	[sflag:s16] =	ssyncadd.s32 $0xFFFFC000  }
0x28: {  	s19 =	sshll.u32 s19, $0x4;
	p0 =	sne.s32 s31, $0x1;
	_ =	swait.ge [sflag:s16], $0x4000  }
.Ltmp0:
0x29: {  	s18 =	sadd.s32 s19, s18;
	[sflag:s16] =	ssyncset.done $0x0;
	(pc) =	sbr.rel @!p0 .LBB2_2-.Ltmp0, $4  }
0x2a: {  	s17 =	sadd.s32 $0x1600, s18;
	[sflag:s16] =	ssyncadd.s32 $0xFFFFC000  }
0x2b: {  	[hbm4b:s17+s3] =	stream.linear.scatter [tilespmem:s12], [sflag:$0x2], $0x10000, $0x38;
	[tilespmem:$0x10200] =	vst v63  }
0x2c: {  	_ =	swait.ge [sflag:s4], $0x10000  }
0x2d: {  	s18 =	sadd.s32 $0xFFFFFFFF, s31;
	[sflag:s4] =	ssyncset.done $0x0  }
.LBB2_1:
0x2e: {  	p0 =	sne.s32 s18, $0x1;
	s18 =	sadd.s32 $0xFFFFFFFF, s18;
	[sflag:s4] =	ssyncadd.s32 $0xFFFF0000  }
0x2f: {  	[tilespmem:s3], [sflag:$0x2] =	stream.linear.gather [hbm4b:s5+s3], $0x80, $0x38;
	[tilespmem:$0x10200] =	vst v63  }
0x30: {  	_ =	swait.ge [sflag:s4], $0x80  }
0x31: {  	[sflag:s4] =	ssyncset.done $0x0  }
0x32: {  	[sflag:s4] =	ssyncadd.s32 $0xFFFFFF80  }
0x33: {  	[tilespmem:s7], [sflag:$0x2] =	stream.linear.gather [hbm4b:s6+s3], $0x80, $0x38;
	[tilespmem:$0x10200] =	vst v63  }
0x34: {  	_ =	swait.ge [sflag:s4], $0x80  }
0x35: {  	[sflag:s4] =	ssyncset.done $0x0  }
0x36: {  	[sflag:s4] =	ssyncadd.s32 $0xFFFFFF80  }
0x37: {  	[tilespmem:s9], [sflag:$0x2] =	stream.linear.gather [hbm4b:s8+s3], $0x80, $0x38;
	[tilespmem:$0x10200] =	vst v63  }
0x38: {  	_ =	swait.ge [sflag:s4], $0x80  }
0x39: {  	[sflag:s4] =	ssyncset.done $0x0  }
0x3a: {  	[sflag:s4] =	ssyncadd.s32 $0xFFFFFF80  }
0x3b: {  	[tilespmem:s11], [sflag:$0x2] =	stream.linear.gather [hbm4b:s10+s3], $0x80, $0x38;
	[tilespmem:$0x10200] =	vst v63  }
0x3c: {  	_ =	swait.ge [sflag:s4], $0x80  }
0x3d: {  	[sflag:s4] =	ssyncset.done $0x0  }
0x3e: {  	[sflag:s4] =	ssyncadd.s32 $0xFFFFFF80  }
0x3f: {  	[tilespmem:s12], [sflag:$0x1] =	stream.indirect.gather [hbm4b:s2+s7], $0x80, s3, s7, $0xb8;
	[tilespmem:$0x10200] =	vst v63  }
0x40: {  	_ = 	snop  }
0x41: {  	[tilespmem:s13], [sflag:$0x1] =	stream.indirect.gather [hbm4b:s2+s7], $0x80, s7, s7, $0xb8;
	[tilespmem:$0x10200] =	vst v63  }
0x42: {  	_ = 	snop  }
0x43: {  	[tilespmem:s14], [sflag:$0x1] =	stream.indirect.gather [hbm4b:s2+s7], $0x80, s9, s7, $0xb8;
	[tilespmem:$0x10200] =	vst v63  }
0x44: {  	_ = 	snop  }
0x45: {  	[tilespmem:s15], [sflag:$0x1] =	stream.indirect.gather [hbm4b:s2+s7], $0x80, s11, s7, $0xb8;
	[tilespmem:$0x10200] =	vst v63  }
0x46: {  	_ =	swait.ge [sflag:s16], $0x4000  }
0x47: {  	[sflag:s16] =	ssyncset.done $0x0  }
0x48: {  	[sflag:s16] =	ssyncadd.s32 $0xFFFFC000  }
0x49: {  	_ =	swait.ge [sflag:s16], $0x4000  }
0x4a: {  	[sflag:s16] =	ssyncset.done $0x0  }
0x4b: {  	[sflag:s16] =	ssyncadd.s32 $0xFFFFC000  }
0x4c: {  	_ =	swait.ge [sflag:s16], $0x4000  }
0x4d: {  	[sflag:s16] =	ssyncset.done $0x0  }
0x4e: {  	[sflag:s16] =	ssyncadd.s32 $0xFFFFC000  }
0x4f: {  	_ =	swait.ge [sflag:s16], $0x4000  }
.Ltmp1:
0x50: {  	[sflag:s16] =	ssyncset.done $0x0;
	(pc) =	sbr.rel @p0 .LBB2_1-.Ltmp1, $4  }
0x51: {  	[sflag:s16] =	ssyncadd.s32 $0xFFFFC000  }
0x52: {  	[hbm4b:s17+s3] =	stream.linear.scatter [tilespmem:s12], [sflag:$0x2], $0x10000, $0x38;
	[tilespmem:$0x10200] =	vst v63  }
0x53: {  	_ =	swait.ge [sflag:s4], $0x10000  }
0x54: {  	[sflag:s4] =	ssyncset.done $0x0  }
.LBB2_2:
0x55: {  	[sflag:s4] =	ssyncadd.s32 $0xFFFF0000  }
0x56: {  	_ =	sfence.sel $0x180000  }
0x57: {  	[bflag:$0x0] =	sbarrier.arrive $0xFFFF  }
0x58: {  	p0 =	sne.s32 s0, $0x0;
	_ =	strace $0x90000047  }
0x59: {  	s0 =	sadd.s32 @!p0 $0x100000, s1;
	[bflag:$0x2] =	sbarrier.arrive $0xFFFF  }
0x5a: {  	[sflag:s0] =	ssyncadd.tile.s32 @!p0 $0x1;
	_ =	shalt  }
.Lfunc_end2:
_tile_overlayer_lowered:
.L_overlay_start_2:
0x5b: {  	(tag) =	ssettag $0x2  }
0x5c: {  	s0 =	rddreg [dreg:$0x0];
	s2 =	stileid.u32  }
0x5d: {  	s1 =	rddreg [dreg:$0x1];
	p0 =	sne.s32 s2, $0x0  }
0x5e: {  	s3 =	rddreg [dreg:$0x2];
	[bflag:$0x3] =	sbarrier.arrive $0xFFFF;
	s2 =	simm.s32 @!p0 $0x1C02  }
0x5f: {  	[timem:s3], [sflag:s2] =	dma.local @!p0 [hbm:s0], s1  }
0x60: {  	s0 =	simm.s32 @!p0 $0x2  }
0x61: {  	_ =	swait.ge @!p0 [sflag:s0], s1  }
0x62: {  	s1 =	ssub.s32 @!p0 $0x0, s1;
	[sflag:s0] =	ssyncset.done @!p0 $0x0  }
0x63: {  	[sflag:s0] =	ssyncadd.s32 @!p0 s1  }
0x64: {  	[bflag:$0x3] =	sbarrier.arrive $0xFFFF  }
0x65: {  	_ =	shalt  }

</sc_bundles>
